<compile_context>
chip_gen: v7x
topology: tpu7x:2x2x1
jax: 0.10.2.dev20260603
libtpu: 0.0.44.dev20260713+nightly
codegen_flags: <defaults>
</compile_context>

<pallas_src>
import jax
import jax.numpy as jnp
from jax import lax
from jax.experimental import pallas as pl
from jax.experimental.pallas import tpu as pltpu
from jax.experimental.pallas import tpu_sc as plsc

N_NODES = 100000
HIDDEN = 128
CHUNK = 128
N_CHUNKS = (N_NODES + CHUNK - 1) // CHUNK
TAIL = N_NODES - (N_CHUNKS - 1) * CHUNK
KSML = N_CHUNKS // 32
KBIG = KSML + 1
BIG_W = N_CHUNKS - KSML * 32
VOCAB = 512
LAST_W_ROW0 = (BIG_W * KBIG + (31 - BIG_W) * KSML) * CHUNK
LAST_FULL = (KSML - 1) * CHUNK


def _body(in_idx, out_idx, tin, tout, w_in, w_out, out, idx_a, idx_b, ba0,
          ba1, ba2, spm_i, spm_o, sa0, sa1, sa2, sb0, sb1, sb2, sw0, sw1, sw2,
          sst):
  cid = lax.axis_index("c")
  sid = lax.axis_index("s")
  wid = sid * 2 + cid

  rpt = VOCAB // 16
  ti = pltpu.async_copy(w_in.at[pl.ds(sid * rpt, rpt)],
                        spm_i.at[pl.ds(sid * rpt, rpt)], sst)
  to = pltpu.async_copy(w_out.at[pl.ds(sid * rpt, rpt)],
                        spm_o.at[pl.ds(sid * rpt, rpt)], sst)
  ti.wait()
  to.wait()
  plsc.subcore_barrier()

  ba = (ba0, ba1, ba2)
  sa = (sa0, sa1, sa2)
  sb = (sb0, sb1, sb2)
  sw = (sw0, sw1, sw2)

  def run(n, c0):
    def ia(j):
      return idx_a.at[pl.ds(j * CHUNK, CHUNK)]

    def ib(j):
      return idx_b.at[pl.ds(j * CHUNK, CHUNK)]

    def issue_a(j, m):
      pltpu.async_copy(spm_i.at[ia(j)], ba[m], sa[m])

    def wait_a(j, m):
      pltpu.make_async_copy(spm_i.at[ia(j)], ba[m], sa[m]).wait()

    def issue_b(j, m):
      pltpu.async_copy(spm_o.at[ib(j)], ba[m], sb[m])

    def wait_b(j, m):
      pltpu.make_async_copy(spm_o.at[ib(j)], ba[m], sb[m]).wait()

    def issue_w(j, m):
      g = c0 + j

      @pl.when(g < N_CHUNKS - 1)
      def _():
        pltpu.async_copy(ba[m], out.at[pl.ds(g * CHUNK, CHUNK)], sw[m])

      @pl.when(g == N_CHUNKS - 1)
      def _():
        pltpu.async_copy(ba[m].at[pl.ds(0, TAIL)],
                         out.at[pl.ds(g * CHUNK, TAIL)], sw[m])

    def wait_w(j, m):
      g = c0 + j

      @pl.when(g < N_CHUNKS - 1)
      def _():
        pltpu.make_async_copy(ba[m], out.at[pl.ds(g * CHUNK, CHUNK)],
                              sw[m]).wait()

      @pl.when(g == N_CHUNKS - 1)
      def _():
        pltpu.make_async_copy(ba[m].at[pl.ds(0, TAIL)],
                              out.at[pl.ds(g * CHUNK, TAIL)], sw[m]).wait()

    issue_a(0, 0)

    def triple_body(p, carry):
      for u in range(3):
        j = 3 * p + u

        @pl.when(j < n)
        def _():
          @pl.when(j >= 1)
          def _():
            wait_b(j - 1, (u - 1) % 3)
            issue_w(j - 1, (u - 1) % 3)

          @pl.when(j >= 2)
          def _():
            wait_w(j - 2, (u - 2) % 3)

          wait_a(j, u)
          issue_b(j, u)

          @pl.when(j + 1 < n)
          def _():
            issue_a(j + 1, (u + 1) % 3)

      return carry

    lax.fori_loop(0, (n + 2) // 3, triple_body, 0)

    m_last = (n - 1) % 3
    wait_b(n - 1, m_last)
    issue_w(n - 1, m_last)
    wait_w(n - 2, (n - 2) % 3)
    wait_w(n - 1, m_last)

  @pl.when(wid < BIG_W)
  def _():
    nr = KBIG * CHUNK
    c0 = wid * KBIG
    pltpu.sync_copy(in_idx.at[pl.ds(c0 * CHUNK, nr)], idx_a.at[pl.ds(0, nr)])
    pltpu.sync_copy(out_idx.at[pl.ds(c0 * CHUNK, nr)], idx_b.at[pl.ds(0, nr)])
    run(KBIG, c0)

  @pl.when((wid >= BIG_W) & (wid < 31))
  def _():
    nr = KSML * CHUNK
    c0 = BIG_W * KBIG + (wid - BIG_W) * KSML
    pltpu.sync_copy(in_idx.at[pl.ds(c0 * CHUNK, nr)], idx_a.at[pl.ds(0, nr)])
    pltpu.sync_copy(out_idx.at[pl.ds(c0 * CHUNK, nr)], idx_b.at[pl.ds(0, nr)])
    run(KSML, c0)

  @pl.when(wid == 31)
  def _():
    pltpu.sync_copy(in_idx.at[pl.ds(LAST_W_ROW0, LAST_FULL)],
                    idx_a.at[pl.ds(0, LAST_FULL)])
    pltpu.sync_copy(out_idx.at[pl.ds(LAST_W_ROW0, LAST_FULL)],
                    idx_b.at[pl.ds(0, LAST_FULL)])
    pltpu.sync_copy(tin, idx_a.at[pl.ds(LAST_FULL, CHUNK)])
    pltpu.sync_copy(tout, idx_b.at[pl.ds(LAST_FULL, CHUNK)])
    run(KSML, LAST_W_ROW0 // CHUNK)


@jax.jit
def kernel(in_deg, out_deg, W_in, W_out):
  in_p = in_deg.astype(jnp.int32)
  out_p = out_deg.astype(jnp.int32)
  tin = jnp.pad(in_p[(N_CHUNKS - 1) * CHUNK:], (0, CHUNK - TAIL))
  tout = jnp.pad(out_p[(N_CHUNKS - 1) * CHUNK:], (0, CHUNK - TAIL))

  mesh = plsc.VectorSubcoreMesh(core_axis_name="c", subcore_axis_name="s")
  f = pl.kernel(
      _body,
      out_type=jax.ShapeDtypeStruct((N_NODES, HIDDEN), jnp.float32),
      mesh=mesh,
      scratch_types=[
          pltpu.VMEM((KBIG * CHUNK,), jnp.int32),
          pltpu.VMEM((KBIG * CHUNK,), jnp.int32),
          pltpu.VMEM((CHUNK, HIDDEN), jnp.float32),
          pltpu.VMEM((CHUNK, HIDDEN), jnp.float32),
          pltpu.VMEM((CHUNK, HIDDEN), jnp.float32),
          pltpu.VMEM_SHARED((VOCAB, HIDDEN), jnp.float32),
          pltpu.VMEM_SHARED((VOCAB, HIDDEN), jnp.float32),
          pltpu.SemaphoreType.DMA,
          pltpu.SemaphoreType.DMA,
          pltpu.SemaphoreType.DMA,
          pltpu.SemaphoreType.DMA,
          pltpu.SemaphoreType.DMA,
          pltpu.SemaphoreType.DMA,
          pltpu.SemaphoreType.DMA,
          pltpu.SemaphoreType.DMA,
          pltpu.SemaphoreType.DMA,
          pltpu.SemaphoreType.DMA,
      ],
  )
  return f(in_p, out_p, tin, tout, W_in, W_out)

# --- scband reference (transcript-rebuilt; emitter-appended) ---
"""Pipeline reference for scband-centrality-encoding-32607391711719 (READ-ONLY COPY).

The authoritative reference and input builder live on the scoring server;
editing this copy changes nothing except your own understanding.
"""

import jax, jax.numpy as jnp
import numpy as np

N_NODES = 100000
VOCAB_IN = 512
VOCAB_OUT = 512
HIDDEN = 128


def setup_inputs(seed: int = 0) -> dict:
    key = jax.random.key(seed)
    k1, k2, k3, k4 = jax.random.split(key, 4)
    in_deg = jax.random.randint(k1, (N_NODES,), 0, VOCAB_IN)
    out_deg = jax.random.randint(k2, (N_NODES,), 0, VOCAB_OUT)
    # nn.Embedding weights init: normal(0, 0.02), padding_idx row zeroed
    W_in = jax.random.normal(k3, (VOCAB_IN, HIDDEN), dtype=jnp.float32) * 0.02
    W_in = W_in.at[0].set(0.0)
    W_out = jax.random.normal(k4, (VOCAB_OUT, HIDDEN), dtype=jnp.float32) * 0.02
    W_out = W_out.at[0].set(0.0)
    return {"in_deg": in_deg, "out_deg": out_deg, "W_in": W_in, "W_out": W_out}


def reference(in_deg, out_deg, W_in, W_out):
    # CentralityEncoding.forward: embedding lookup on in/out degrees, sum, squeeze
    ce = jnp.take(W_in, in_deg, axis=0) + jnp.take(W_out, out_deg, axis=0)
    return jnp.squeeze(ce)

if __name__ == "__main__":
    import jax
    _d = setup_inputs()
    print(jax.jit(kernel)(*tuple(_d.values())))

</pallas_src>

<mosaic_0001>
#map = affine_map<(d0, d1) -> (0)>
#map1 = affine_map<(d0, d1) -> (0, 0)>
module attributes {stable_mosaic.version = 14 : i64} {
  func.func @_body(%arg0: i32, %arg1: i32, %arg2: memref<100000xi32, #tpu.memory_space<hbm>>, %arg3: memref<100000xi32, #tpu.memory_space<hbm>>, %arg4: memref<128xi32, #tpu.memory_space<hbm>>, %arg5: memref<128xi32, #tpu.memory_space<hbm>>, %arg6: memref<512x128xf32, #tpu.memory_space<hbm>>, %arg7: memref<512x128xf32, #tpu.memory_space<hbm>>, %arg8: memref<100000x128xf32, #tpu.memory_space<hbm>>, %arg9: memref<3200xi32, #tpu.memory_space<vmem>>, %arg10: memref<3200xi32, #tpu.memory_space<vmem>>, %arg11: memref<128x128xf32, #tpu.memory_space<vmem>>, %arg12: memref<128x128xf32, #tpu.memory_space<vmem>>, %arg13: memref<128x128xf32, #tpu.memory_space<vmem>>, %arg14: memref<512x128xf32, #tpu.memory_space<vmem_shared>>, %arg15: memref<512x128xf32, #tpu.memory_space<vmem_shared>>, %arg16: memref<!tpu.dma_semaphore, #tpu.memory_space<semaphore_mem>>, %arg17: memref<!tpu.dma_semaphore, #tpu.memory_space<semaphore_mem>>, %arg18: memref<!tpu.dma_semaphore, #tpu.memory_space<semaphore_mem>>, %arg19: memref<!tpu.dma_semaphore, #tpu.memory_space<semaphore_mem>>, %arg20: memref<!tpu.dma_semaphore, #tpu.memory_space<semaphore_mem>>, %arg21: memref<!tpu.dma_semaphore, #tpu.memory_space<semaphore_mem>>, %arg22: memref<!tpu.dma_semaphore, #tpu.memory_space<semaphore_mem>>, %arg23: memref<!tpu.dma_semaphore, #tpu.memory_space<semaphore_mem>>, %arg24: memref<!tpu.dma_semaphore, #tpu.memory_space<semaphore_mem>>, %arg25: memref<!tpu.dma_semaphore, #tpu.memory_space<semaphore_mem>>) attributes {dimension_semantics = [#tpu.dimension_semantics<core_parallel>, #tpu.dimension_semantics<subcore_parallel>], iteration_bounds = array<i64: 2, 16>, scalar_prefetch = 0 : i64, scratch_operands = 17 : i64, tpu.core_type = #tpu.core_type<sc_vector_subcore>, window_params = [{transform_indices = #map}, {transform_indices = #map}, {transform_indices = #map}, {transform_indices = #map}, {transform_indices = #map1}, {transform_indices = #map1}, {transform_indices = #map1}]} {
    %mul3A = arith.constant 2 : i32
    %mul3A_0 = arith.muli %arg1, %mul3A : i32
    %add3A = arith.addi %mul3A_0, %arg0 : i32
    %mul3A_1 = arith.constant 32 : i32
    %mul3A_2 = arith.muli %arg1, %mul3A_1 : i32
    %mul3A_3 = arith.constant 32 : i32
    %mul3A_4 = arith.muli %arg1, %mul3A_3 : i32
    %dma_start3A = arith.constant 0 : i32
    %dma_start3A_5 = tpu.memref_slice %arg14[%mul3A_4, %dma_start3A] : memref<512x128xf32, #tpu.memory_space<vmem_shared>> -> memref<32x128xf32, #tpu.memory_space<vmem_shared>>
    %dma_start3A_6 = arith.constant 0 : i32
    %dma_start3A_7 = tpu.memref_slice %arg6[%mul3A_2, %dma_start3A_6] : memref<512x128xf32, #tpu.memory_space<hbm>> -> memref<32x128xf32, #tpu.memory_space<hbm>>
    tpu.enqueue_dma source(%dma_start3A_7 : memref<32x128xf32, #tpu.memory_space<hbm>>) target(%dma_start3A_5 : memref<32x128xf32, #tpu.memory_space<vmem_shared>>) target_semaphore(%arg25 : memref<!tpu.dma_semaphore, #tpu.memory_space<semaphore_mem>>)
    %mul3A_8 = arith.constant 32 : i32
    %mul3A_9 = arith.muli %arg1, %mul3A_8 : i32
    %mul3A_10 = arith.constant 32 : i32
    %mul3A_11 = arith.muli %arg1, %mul3A_10 : i32
    %dma_start3A_12 = arith.constant 0 : i32
    %dma_start3A_13 = tpu.memref_slice %arg15[%mul3A_11, %dma_start3A_12] : memref<512x128xf32, #tpu.memory_space<vmem_shared>> -> memref<32x128xf32, #tpu.memory_space<vmem_shared>>
    %dma_start3A_14 = arith.constant 0 : i32
    %dma_start3A_15 = tpu.memref_slice %arg7[%mul3A_9, %dma_start3A_14] : memref<512x128xf32, #tpu.memory_space<hbm>> -> memref<32x128xf32, #tpu.memory_space<hbm>>
    tpu.enqueue_dma source(%dma_start3A_15 : memref<32x128xf32, #tpu.memory_space<hbm>>) target(%dma_start3A_13 : memref<32x128xf32, #tpu.memory_space<vmem_shared>>) target_semaphore(%arg25 : memref<!tpu.dma_semaphore, #tpu.memory_space<semaphore_mem>>)
    %dma_wait3A = arith.constant 0 : i32
    %dma_wait3A_16 = tpu.memref_slice %arg14[%mul3A_4, %dma_wait3A] : memref<512x128xf32, #tpu.memory_space<vmem_shared>> -> memref<32x128xf32, #tpu.memory_space<vmem_shared>>
    %dma_wait3A_17 = arith.constant 0 : i32
    %dma_wait3A_18 = tpu.memref_slice %arg6[%mul3A_2, %dma_wait3A_17] : memref<512x128xf32, #tpu.memory_space<hbm>> -> memref<32x128xf32, #tpu.memory_space<hbm>>
    tpu.wait_dma2 semaphore(%arg25 : memref<!tpu.dma_semaphore, #tpu.memory_space<semaphore_mem>>) src(%dma_wait3A_18 : memref<32x128xf32, #tpu.memory_space<hbm>>) dst(%dma_wait3A_16 : memref<32x128xf32, #tpu.memory_space<vmem_shared>>)
    %dma_wait3A_19 = arith.constant 0 : i32
    %dma_wait3A_20 = tpu.memref_slice %arg15[%mul3A_11, %dma_wait3A_19] : memref<512x128xf32, #tpu.memory_space<vmem_shared>> -> memref<32x128xf32, #tpu.memory_space<vmem_shared>>
    %dma_wait3A_21 = arith.constant 0 : i32
    %dma_wait3A_22 = tpu.memref_slice %arg7[%mul3A_9, %dma_wait3A_21] : memref<512x128xf32, #tpu.memory_space<hbm>> -> memref<32x128xf32, #tpu.memory_space<hbm>>
    tpu.wait_dma2 semaphore(%arg25 : memref<!tpu.dma_semaphore, #tpu.memory_space<semaphore_mem>>) src(%dma_wait3A_22 : memref<32x128xf32, #tpu.memory_space<hbm>>) dst(%dma_wait3A_20 : memref<32x128xf32, #tpu.memory_space<vmem_shared>>)
    %barrier3A = arith.constant 0 : index
    tpu.barrier barrier_id(%barrier3A)
    %lt3A = arith.constant 14 : i32
    %lt3A_23 = arith.cmpi slt, %add3A, %lt3A : i32
    %convert_element_type3A = arith.extui %lt3A_23 : i1 to i32
    %cond3A = arith.constant 0 : i32
    %cond3A_24 = arith.cmpi ne, %convert_element_type3A, %cond3A : i32
    scf.if %cond3A_24 {
      %mul3A_35 = arith.constant 25 : i32
      %mul3A_36 = arith.muli %add3A, %mul3A_35 : i32
      %mul3A_37 = arith.constant 128 : i32
      %mul3A_38 = arith.muli %mul3A_36, %mul3A_37 : i32
      "tpu.region"() ({
        %run_scoped3A = tpu.sem_alloc : memref<!tpu.dma_semaphore, #tpu.memory_space<semaphore_mem>>
        %dma_start3A_92 = arith.constant 0 : i32
        %dma_start3A_93 = tpu.memref_slice %arg9[%dma_start3A_92] : memref<3200xi32, #tpu.memory_space<vmem>> -> memref<3200xi32, #tpu.memory_space<vmem>>
        %dma_start3A_94 = tpu.memref_slice %arg2[%mul3A_38] : memref<100000xi32, #tpu.memory_space<hbm>> -> memref<3200xi32, #tpu.memory_space<hbm>>
        %dma_start3A_95 = arith.constant 0 : i32
        %dma_start3A_96 = tpu.memref_slice %arg9[%dma_start3A_95] : memref<3200xi32, #tpu.memory_space<vmem>> -> memref<3200xi32, #tpu.memory_space<vmem>>
        %dma_start3A_97 = tpu.memref_slice %arg2[%mul3A_38] : memref<100000xi32, #tpu.memory_space<hbm>> -> memref<3200xi32, #tpu.memory_space<hbm>>
        tpu.enqueue_dma source(%dma_start3A_97 : memref<3200xi32, #tpu.memory_space<hbm>>) target(%dma_start3A_96 : memref<3200xi32, #tpu.memory_space<vmem>>) target_semaphore(%run_scoped3A : memref<!tpu.dma_semaphore, #tpu.memory_space<semaphore_mem>>)
        %dma_wait3A_98 = arith.constant 0 : i32
        %dma_wait3A_99 = tpu.memref_slice %arg9[%dma_wait3A_98] : memref<3200xi32, #tpu.memory_space<vmem>> -> memref<3200xi32, #tpu.memory_space<vmem>>
        %dma_wait3A_100 = tpu.memref_slice %arg2[%mul3A_38] : memref<100000xi32, #tpu.memory_space<hbm>> -> memref<3200xi32, #tpu.memory_space<hbm>>
        %dma_wait3A_101 = arith.constant 0 : i32
        %dma_wait3A_102 = tpu.memref_slice %arg9[%dma_wait3A_101] : memref<3200xi32, #tpu.memory_space<vmem>> -> memref<3200xi32, #tpu.memory_space<vmem>>
        %dma_wait3A_103 = tpu.memref_slice %arg2[%mul3A_38] : memref<100000xi32, #tpu.memory_space<hbm>> -> memref<3200xi32, #tpu.memory_space<hbm>>
        tpu.wait_dma2 semaphore(%run_scoped3A : memref<!tpu.dma_semaphore, #tpu.memory_space<semaphore_mem>>) src(%dma_wait3A_103 : memref<3200xi32, #tpu.memory_space<hbm>>) dst(%dma_wait3A_102 : memref<3200xi32, #tpu.memory_space<vmem>>)
        tpu.yield
      }) : () -> ()
      %mul3A_39 = arith.constant 128 : i32
      %mul3A_40 = arith.muli %mul3A_36, %mul3A_39 : i32
      "tpu.region"() ({
        %run_scoped3A = tpu.sem_alloc : memref<!tpu.dma_semaphore, #tpu.memory_space<semaphore_mem>>
        %dma_start3A_92 = arith.constant 0 : i32
        %dma_start3A_93 = tpu.memref_slice %arg10[%dma_start3A_92] : memref<3200xi32, #tpu.memory_space<vmem>> -> memref<3200xi32, #tpu.memory_space<vmem>>
        %dma_start3A_94 = tpu.memref_slice %arg3[%mul3A_40] : memref<100000xi32, #tpu.memory_space<hbm>> -> memref<3200xi32, #tpu.memory_space<hbm>>
        %dma_start3A_95 = arith.constant 0 : i32
        %dma_start3A_96 = tpu.memref_slice %arg10[%dma_start3A_95] : memref<3200xi32, #tpu.memory_space<vmem>> -> memref<3200xi32, #tpu.memory_space<vmem>>
        %dma_start3A_97 = tpu.memref_slice %arg3[%mul3A_40] : memref<100000xi32, #tpu.memory_space<hbm>> -> memref<3200xi32, #tpu.memory_space<hbm>>
        tpu.enqueue_dma source(%dma_start3A_97 : memref<3200xi32, #tpu.memory_space<hbm>>) target(%dma_start3A_96 : memref<3200xi32, #tpu.memory_space<vmem>>) target_semaphore(%run_scoped3A : memref<!tpu.dma_semaphore, #tpu.memory_space<semaphore_mem>>)
        %dma_wait3A_98 = arith.constant 0 : i32
        %dma_wait3A_99 = tpu.memref_slice %arg10[%dma_wait3A_98] : memref<3200xi32, #tpu.memory_space<vmem>> -> memref<3200xi32, #tpu.memory_space<vmem>>
        %dma_wait3A_100 = tpu.memref_slice %arg3[%mul3A_40] : memref<100000xi32, #tpu.memory_space<hbm>> -> memref<3200xi32, #tpu.memory_space<hbm>>
        %dma_wait3A_101 = arith.constant 0 : i32
        %dma_wait3A_102 = tpu.memref_slice %arg10[%dma_wait3A_101] : memref<3200xi32, #tpu.memory_space<vmem>> -> memref<3200xi32, #tpu.memory_space<vmem>>
        %dma_wait3A_103 = tpu.memref_slice %arg3[%mul3A_40] : memref<100000xi32, #tpu.memory_space<hbm>> -> memref<3200xi32, #tpu.memory_space<hbm>>
        tpu.wait_dma2 semaphore(%run_scoped3A : memref<!tpu.dma_semaphore, #tpu.memory_space<semaphore_mem>>) src(%dma_wait3A_103 : memref<3200xi32, #tpu.memory_space<hbm>>) dst(%dma_wait3A_102 : memref<3200xi32, #tpu.memory_space<vmem>>)
        tpu.yield
      }) : () -> ()
      %dma_start3A_41 = arith.constant 0 : i32
      %dma_start3A_42 = tpu.memref_slice %arg9[%dma_start3A_41] : memref<3200xi32, #tpu.memory_space<vmem>> -> memref<128xi32, #tpu.memory_space<vmem>>
      %dma_start3A_43 = arith.constant 0 : i32
      %dma_start3A_44 = arith.constant 0 : i32
      %dma_start3A_45 = tpu.memref_slice %arg14[%dma_start3A_43, %dma_start3A_44] : memref<512x128xf32, #tpu.memory_space<vmem_shared>> -> memref<512x128xf32, #tpu.memory_space<vmem_shared>>
      tpu.enqueue_indirect_dma source(%dma_start3A_45 : memref<512x128xf32, #tpu.memory_space<vmem_shared>>) target(%arg11 : memref<128x128xf32, #tpu.memory_space<vmem>>) offsets(%dma_start3A_42 : memref<128xi32, #tpu.memory_space<vmem>>) semaphore(%arg16 : memref<!tpu.dma_semaphore, #tpu.memory_space<semaphore_mem>>)
      %scan3A = arith.constant 0 : i32
      %scan3A_46 = arith.constant 0 : i32
      %scan3A_47 = arith.constant 9 : i32
      %scan3A_48 = arith.addi %scan3A_46, %scan3A_47 : i32
      %scan3A_49 = arith.constant 1 : i32
      scf.for %scan3A_92 = %scan3A_46 to %scan3A_48 step %scan3A_49  : i32 {
        %mul3A_93 = arith.constant 3 : i32
        %mul3A_94 = arith.muli %mul3A_93, %scan3A_92 : i32
        %add3A_95 = arith.constant 0 : i32
        %add3A_96 = arith.addi %mul3A_94, %add3A_95 : i32
        %lt3A_97 = arith.constant 25 : i32
        %lt3A_98 = arith.cmpi slt, %add3A_96, %lt3A_97 : i32
        %convert_element_type3A_99 = arith.extui %lt3A_98 : i1 to i32
        %cond3A_100 = arith.constant 0 : i32
        %cond3A_101 = arith.cmpi ne, %convert_element_type3A_99, %cond3A_100 : i32
        scf.if %cond3A_101 {
          %ge3A_120 = arith.constant 1 : i32
          %ge3A_121 = arith.cmpi sge, %add3A_96, %ge3A_120 : i32
          %convert_element_type3A_122 = arith.extui %ge3A_121 : i1 to i32
          %cond3A_123 = arith.constant 0 : i32
          %cond3A_124 = arith.cmpi ne, %convert_element_type3A_122, %cond3A_123 : i32
          scf.if %cond3A_124 {
            %sub3A = arith.constant 1 : i32
            %sub3A_149 = arith.subi %add3A_96, %sub3A : i32
            %mul3A_150 = arith.constant 128 : i32
            %mul3A_151 = arith.muli %sub3A_149, %mul3A_150 : i32
            %dma_wait3A_152 = tpu.memref_slice %arg10[%mul3A_151] : memref<3200xi32, #tpu.memory_space<vmem>> -> memref<128xi32, #tpu.memory_space<vmem>>
            %dma_wait3A_153 = arith.constant 0 : i32
            %dma_wait3A_154 = arith.constant 0 : i32
            %dma_wait3A_155 = tpu.memref_slice %arg15[%dma_wait3A_153, %dma_wait3A_154] : memref<512x128xf32, #tpu.memory_space<vmem_shared>> -> memref<512x128xf32, #tpu.memory_space<vmem_shared>>
            tpu.wait_indirect_dma semaphore(%arg21 : memref<!tpu.dma_semaphore, #tpu.memory_space<semaphore_mem>>) src(%dma_wait3A_155 : memref<512x128xf32, #tpu.memory_space<vmem_shared>>) dst(%arg13 : memref<128x128xf32, #tpu.memory_space<vmem>>)
            %sub3A_156 = arith.constant 1 : i32
            %sub3A_157 = arith.subi %add3A_96, %sub3A_156 : i32
            %add3A_158 = arith.addi %mul3A_36, %sub3A_157 : i32
            %lt3A_159 = arith.constant 781 : i32
            %lt3A_160 = arith.cmpi slt, %add3A_158, %lt3A_159 : i32
            %convert_element_type3A_161 = arith.extui %lt3A_160 : i1 to i32
            %cond3A_162 = arith.constant 0 : i32
            %cond3A_163 = arith.cmpi ne, %convert_element_type3A_161, %cond3A_162 : i32
            scf.if %cond3A_163 {
              %mul3A_169 = arith.constant 128 : i32
              %mul3A_170 = arith.muli %add3A_158, %mul3A_169 : i32
              %dma_start3A_171 = arith.constant 0 : i32
              %dma_start3A_172 = tpu.memref_slice %arg8[%mul3A_170, %dma_start3A_171] : memref<100000x128xf32, #tpu.memory_space<hbm>> -> memref<128x128xf32, #tpu.memory_space<hbm>>
              %dma_start3A_173 = arith.constant 0 : i32
              %dma_start3A_174 = tpu.memref_slice %arg8[%mul3A_170, %dma_start3A_173] : memref<100000x128xf32, #tpu.memory_space<hbm>> -> memref<128x128xf32, #tpu.memory_space<hbm>>
              tpu.enqueue_dma source(%arg13 : memref<128x128xf32, #tpu.memory_space<vmem>>) target(%dma_start3A_174 : memref<128x128xf32, #tpu.memory_space<hbm>>) target_semaphore(%arg24 : memref<!tpu.dma_semaphore, #tpu.memory_space<semaphore_mem>>)
            } else {
            }
            %eq3A_164 = arith.constant 781 : i32
            %eq3A_165 = arith.cmpi eq, %add3A_158, %eq3A_164 : i32
            %convert_element_type3A_166 = arith.extui %eq3A_165 : i1 to i32
            %cond3A_167 = arith.constant 0 : i32
            %cond3A_168 = arith.cmpi ne, %convert_element_type3A_166, %cond3A_167 : i32
            scf.if %cond3A_168 {
              %mul3A_169 = arith.constant 128 : i32
              %mul3A_170 = arith.muli %add3A_158, %mul3A_169 : i32
              %dma_start3A_171 = arith.constant 0 : i32
              %dma_start3A_172 = arith.constant 0 : i32
              %dma_start3A_173 = tpu.memref_slice %arg13[%dma_start3A_171, %dma_start3A_172] : memref<128x128xf32, #tpu.memory_space<vmem>> -> memref<32x128xf32, #tpu.memory_space<vmem>>
              %dma_start3A_174 = arith.constant 0 : i32
              %dma_start3A_175 = tpu.memref_slice %arg8[%mul3A_170, %dma_start3A_174] : memref<100000x128xf32, #tpu.memory_space<hbm>> -> memref<32x128xf32, #tpu.memory_space<hbm>>
              %dma_start3A_176 = arith.constant 0 : i32
              %dma_start3A_177 = tpu.memref_slice %arg8[%mul3A_170, %dma_start3A_176] : memref<100000x128xf32, #tpu.memory_space<hbm>> -> memref<32x128xf32, #tpu.memory_space<hbm>>
              %dma_start3A_178 = arith.constant 0 : i32
              %dma_start3A_179 = arith.constant 0 : i32
              %dma_start3A_180 = tpu.memref_slice %arg13[%dma_start3A_178, %dma_start3A_179] : memref<128x128xf32, #tpu.memory_space<vmem>> -> memref<32x128xf32, #tpu.memory_space<vmem>>
              tpu.enqueue_dma source(%dma_start3A_180 : memref<32x128xf32, #tpu.memory_space<vmem>>) target(%dma_start3A_177 : memref<32x128xf32, #tpu.memory_space<hbm>>) target_semaphore(%arg24 : memref<!tpu.dma_semaphore, #tpu.memory_space<semaphore_mem>>)
            } else {
            }
          } else {
          }
          %ge3A_125 = arith.constant 2 : i32
          %ge3A_126 = arith.cmpi sge, %add3A_96, %ge3A_125 : i32
          %convert_element_type3A_127 = arith.extui %ge3A_126 : i1 to i32
          %cond3A_128 = arith.constant 0 : i32
          %cond3A_129 = arith.cmpi ne, %convert_element_type3A_127, %cond3A_128 : i32
          scf.if %cond3A_129 {
            %sub3A = arith.constant 2 : i32
            %sub3A_149 = arith.subi %add3A_96, %sub3A : i32
            %add3A_150 = arith.addi %mul3A_36, %sub3A_149 : i32
            %lt3A_151 = arith.constant 781 : i32
            %lt3A_152 = arith.cmpi slt, %add3A_150, %lt3A_151 : i32
            %convert_element_type3A_153 = arith.extui %lt3A_152 : i1 to i32
            %cond3A_154 = arith.constant 0 : i32
            %cond3A_155 = arith.cmpi ne, %convert_element_type3A_153, %cond3A_154 : i32
            scf.if %cond3A_155 {
              %mul3A_161 = arith.constant 128 : i32
              %mul3A_162 = arith.muli %add3A_150, %mul3A_161 : i32
              %dma_wait3A_163 = arith.constant 0 : i32
              %dma_wait3A_164 = tpu.memref_slice %arg8[%mul3A_162, %dma_wait3A_163] : memref<100000x128xf32, #tpu.memory_space<hbm>> -> memref<128x128xf32, #tpu.memory_space<hbm>>
              %dma_wait3A_165 = arith.constant 0 : i32
              %dma_wait3A_166 = tpu.memref_slice %arg8[%mul3A_162, %dma_wait3A_165] : memref<100000x128xf32, #tpu.memory_space<hbm>> -> memref<128x128xf32, #tpu.memory_space<hbm>>
              tpu.wait_dma2 semaphore(%arg23 : memref<!tpu.dma_semaphore, #tpu.memory_space<semaphore_mem>>) src(%arg12 : memref<128x128xf32, #tpu.memory_space<vmem>>) dst(%dma_wait3A_166 : memref<128x128xf32, #tpu.memory_space<hbm>>)
            } else {
            }
            %eq3A_156 = arith.constant 781 : i32
            %eq3A_157 = arith.cmpi eq, %add3A_150, %eq3A_156 : i32
            %convert_element_type3A_158 = arith.extui %eq3A_157 : i1 to i32
            %cond3A_159 = arith.constant 0 : i32
            %cond3A_160 = arith.cmpi ne, %convert_element_type3A_158, %cond3A_159 : i32
            scf.if %cond3A_160 {
              %mul3A_161 = arith.constant 128 : i32
              %mul3A_162 = arith.muli %add3A_150, %mul3A_161 : i32
              %dma_wait3A_163 = arith.constant 0 : i32
              %dma_wait3A_164 = arith.constant 0 : i32
              %dma_wait3A_165 = tpu.memref_slice %arg12[%dma_wait3A_163, %dma_wait3A_164] : memref<128x128xf32, #tpu.memory_space<vmem>> -> memref<32x128xf32, #tpu.memory_space<vmem>>
              %dma_wait3A_166 = arith.constant 0 : i32
              %dma_wait3A_167 = tpu.memref_slice %arg8[%mul3A_162, %dma_wait3A_166] : memref<100000x128xf32, #tpu.memory_space<hbm>> -> memref<32x128xf32, #tpu.memory_space<hbm>>
              %dma_wait3A_168 = arith.constant 0 : i32
              %dma_wait3A_169 = tpu.memref_slice %arg8[%mul3A_162, %dma_wait3A_168] : memref<100000x128xf32, #tpu.memory_space<hbm>> -> memref<32x128xf32, #tpu.memory_space<hbm>>
              %dma_wait3A_170 = arith.constant 0 : i32
              %dma_wait3A_171 = arith.constant 0 : i32
              %dma_wait3A_172 = tpu.memref_slice %arg12[%dma_wait3A_170, %dma_wait3A_171] : memref<128x128xf32, #tpu.memory_space<vmem>> -> memref<32x128xf32, #tpu.memory_space<vmem>>
              tpu.wait_dma2 semaphore(%arg23 : memref<!tpu.dma_semaphore, #tpu.memory_space<semaphore_mem>>) src(%dma_wait3A_172 : memref<32x128xf32, #tpu.memory_space<vmem>>) dst(%dma_wait3A_169 : memref<32x128xf32, #tpu.memory_space<hbm>>)
            } else {
            }
          } else {
          }
          %mul3A_130 = arith.constant 128 : i32
          %mul3A_131 = arith.muli %add3A_96, %mul3A_130 : i32
          %dma_wait3A_132 = tpu.memref_slice %arg9[%mul3A_131] : memref<3200xi32, #tpu.memory_space<vmem>> -> memref<128xi32, #tpu.memory_space<vmem>>
          %dma_wait3A_133 = arith.constant 0 : i32
          %dma_wait3A_134 = arith.constant 0 : i32
          %dma_wait3A_135 = tpu.memref_slice %arg14[%dma_wait3A_133, %dma_wait3A_134] : memref<512x128xf32, #tpu.memory_space<vmem_shared>> -> memref<512x128xf32, #tpu.memory_space<vmem_shared>>
          tpu.wait_indirect_dma semaphore(%arg16 : memref<!tpu.dma_semaphore, #tpu.memory_space<semaphore_mem>>) src(%dma_wait3A_135 : memref<512x128xf32, #tpu.memory_space<vmem_shared>>) dst(%arg11 : memref<128x128xf32, #tpu.memory_space<vmem>>)
          %mul3A_136 = arith.constant 128 : i32
          %mul3A_137 = arith.muli %add3A_96, %mul3A_136 : i32
          %dma_start3A_138 = tpu.memref_slice %arg10[%mul3A_137] : memref<3200xi32, #tpu.memory_space<vmem>> -> memref<128xi32, #tpu.memory_space<vmem>>
          %dma_start3A_139 = arith.constant 0 : i32
          %dma_start3A_140 = arith.constant 0 : i32
          %dma_start3A_141 = tpu.memref_slice %arg15[%dma_start3A_139, %dma_start3A_140] : memref<512x128xf32, #tpu.memory_space<vmem_shared>> -> memref<512x128xf32, #tpu.memory_space<vmem_shared>>
          tpu.enqueue_indirect_dma source(%dma_start3A_141 : memref<512x128xf32, #tpu.memory_space<vmem_shared>>) target(%arg11 : memref<128x128xf32, #tpu.memory_space<vmem>>) offsets(%dma_start3A_138 : memref<128xi32, #tpu.memory_space<vmem>>) semaphore(%arg19 : memref<!tpu.dma_semaphore, #tpu.memory_space<semaphore_mem>>)
          %add3A_142 = arith.constant 1 : i32
          %add3A_143 = arith.addi %add3A_96, %add3A_142 : i32
          %lt3A_144 = arith.constant 25 : i32
          %lt3A_145 = arith.cmpi slt, %add3A_143, %lt3A_144 : i32
          %convert_element_type3A_146 = arith.extui %lt3A_145 : i1 to i32
          %cond3A_147 = arith.constant 0 : i32
          %cond3A_148 = arith.cmpi ne, %convert_element_type3A_146, %cond3A_147 : i32
          scf.if %cond3A_148 {
            %add3A_149 = arith.constant 1 : i32
            %add3A_150 = arith.addi %add3A_96, %add3A_149 : i32
            %mul3A_151 = arith.constant 128 : i32
            %mul3A_152 = arith.muli %add3A_150, %mul3A_151 : i32
            %dma_start3A_153 = tpu.memref_slice %arg9[%mul3A_152] : memref<3200xi32, #tpu.memory_space<vmem>> -> memref<128xi32, #tpu.memory_space<vmem>>
            %dma_start3A_154 = arith.constant 0 : i32
            %dma_start3A_155 = arith.constant 0 : i32
            %dma_start3A_156 = tpu.memref_slice %arg14[%dma_start3A_154, %dma_start3A_155] : memref<512x128xf32, #tpu.memory_space<vmem_shared>> -> memref<512x128xf32, #tpu.memory_space<vmem_shared>>
            tpu.enqueue_indirect_dma source(%dma_start3A_156 : memref<512x128xf32, #tpu.memory_space<vmem_shared>>) target(%arg12 : memref<128x128xf32, #tpu.memory_space<vmem>>) offsets(%dma_start3A_153 : memref<128xi32, #tpu.memory_space<vmem>>) semaphore(%arg17 : memref<!tpu.dma_semaphore, #tpu.memory_space<semaphore_mem>>)
          } else {
          }
        } else {
        }
        %mul3A_102 = arith.constant 3 : i32
        %mul3A_103 = arith.muli %mul3A_102, %scan3A_92 : i32
        %add3A_104 = arith.constant 1 : i32
        %add3A_105 = arith.addi %mul3A_103, %add3A_104 : i32
        %lt3A_106 = arith.constant 25 : i32
        %lt3A_107 = arith.cmpi slt, %add3A_105, %lt3A_106 : i32
        %convert_element_type3A_108 = arith.extui %lt3A_107 : i1 to i32
        %cond3A_109 = arith.constant 0 : i32
        %cond3A_110 = arith.cmpi ne, %convert_element_type3A_108, %cond3A_109 : i32
        scf.if %cond3A_110 {
          %ge3A_120 = arith.constant 1 : i32
          %ge3A_121 = arith.cmpi sge, %add3A_105, %ge3A_120 : i32
          %convert_element_type3A_122 = arith.extui %ge3A_121 : i1 to i32
          %cond3A_123 = arith.constant 0 : i32
          %cond3A_124 = arith.cmpi ne, %convert_element_type3A_122, %cond3A_123 : i32
          scf.if %cond3A_124 {
            %sub3A = arith.constant 1 : i32
            %sub3A_149 = arith.subi %add3A_105, %sub3A : i32
            %mul3A_150 = arith.constant 128 : i32
            %mul3A_151 = arith.muli %sub3A_149, %mul3A_150 : i32
            %dma_wait3A_152 = tpu.memref_slice %arg10[%mul3A_151] : memref<3200xi32, #tpu.memory_space<vmem>> -> memref<128xi32, #tpu.memory_space<vmem>>
            %dma_wait3A_153 = arith.constant 0 : i32
            %dma_wait3A_154 = arith.constant 0 : i32
            %dma_wait3A_155 = tpu.memref_slice %arg15[%dma_wait3A_153, %dma_wait3A_154] : memref<512x128xf32, #tpu.memory_space<vmem_shared>> -> memref<512x128xf32, #tpu.memory_space<vmem_shared>>
            tpu.wait_indirect_dma semaphore(%arg19 : memref<!tpu.dma_semaphore, #tpu.memory_space<semaphore_mem>>) src(%dma_wait3A_155 : memref<512x128xf32, #tpu.memory_space<vmem_shared>>) dst(%arg11 : memref<128x128xf32, #tpu.memory_space<vmem>>)
            %sub3A_156 = arith.constant 1 : i32
            %sub3A_157 = arith.subi %add3A_105, %sub3A_156 : i32
            %add3A_158 = arith.addi %mul3A_36, %sub3A_157 : i32
            %lt3A_159 = arith.constant 781 : i32
            %lt3A_160 = arith.cmpi slt, %add3A_158, %lt3A_159 : i32
            %convert_element_type3A_161 = arith.extui %lt3A_160 : i1 to i32
            %cond3A_162 = arith.constant 0 : i32
            %cond3A_163 = arith.cmpi ne, %convert_element_type3A_161, %cond3A_162 : i32
            scf.if %cond3A_163 {
              %mul3A_169 = arith.constant 128 : i32
              %mul3A_170 = arith.muli %add3A_158, %mul3A_169 : i32
              %dma_start3A_171 = arith.constant 0 : i32
              %dma_start3A_172 = tpu.memref_slice %arg8[%mul3A_170, %dma_start3A_171] : memref<100000x128xf32, #tpu.memory_space<hbm>> -> memref<128x128xf32, #tpu.memory_space<hbm>>
              %dma_start3A_173 = arith.constant 0 : i32
              %dma_start3A_174 = tpu.memref_slice %arg8[%mul3A_170, %dma_start3A_173] : memref<100000x128xf32, #tpu.memory_space<hbm>> -> memref<128x128xf32, #tpu.memory_space<hbm>>
              tpu.enqueue_dma source(%arg11 : memref<128x128xf32, #tpu.memory_space<vmem>>) target(%dma_start3A_174 : memref<128x128xf32, #tpu.memory_space<hbm>>) target_semaphore(%arg22 : memref<!tpu.dma_semaphore, #tpu.memory_space<semaphore_mem>>)
            } else {
            }
            %eq3A_164 = arith.constant 781 : i32
            %eq3A_165 = arith.cmpi eq, %add3A_158, %eq3A_164 : i32
            %convert_element_type3A_166 = arith.extui %eq3A_165 : i1 to i32
            %cond3A_167 = arith.constant 0 : i32
            %cond3A_168 = arith.cmpi ne, %convert_element_type3A_166, %cond3A_167 : i32
            scf.if %cond3A_168 {
              %mul3A_169 = arith.constant 128 : i32
              %mul3A_170 = arith.muli %add3A_158, %mul3A_169 : i32
              %dma_start3A_171 = arith.constant 0 : i32
              %dma_start3A_172 = arith.constant 0 : i32
              %dma_start3A_173 = tpu.memref_slice %arg11[%dma_start3A_171, %dma_start3A_172] : memref<128x128xf32, #tpu.memory_space<vmem>> -> memref<32x128xf32, #tpu.memory_space<vmem>>
              %dma_start3A_174 = arith.constant 0 : i32
              %dma_start3A_175 = tpu.memref_slice %arg8[%mul3A_170, %dma_start3A_174] : memref<100000x128xf32, #tpu.memory_space<hbm>> -> memref<32x128xf32, #tpu.memory_space<hbm>>
              %dma_start3A_176 = arith.constant 0 : i32
              %dma_start3A_177 = tpu.memref_slice %arg8[%mul3A_170, %dma_start3A_176] : memref<100000x128xf32, #tpu.memory_space<hbm>> -> memref<32x128xf32, #tpu.memory_space<hbm>>
              %dma_start3A_178 = arith.constant 0 : i32
              %dma_start3A_179 = arith.constant 0 : i32
              %dma_start3A_180 = tpu.memref_slice %arg11[%dma_start3A_178, %dma_start3A_179] : memref<128x128xf32, #tpu.memory_space<vmem>> -> memref<32x128xf32, #tpu.memory_space<vmem>>
              tpu.enqueue_dma source(%dma_start3A_180 : memref<32x128xf32, #tpu.memory_space<vmem>>) target(%dma_start3A_177 : memref<32x128xf32, #tpu.memory_space<hbm>>) target_semaphore(%arg22 : memref<!tpu.dma_semaphore, #tpu.memory_space<semaphore_mem>>)
            } else {
            }
          } else {
          }
          %ge3A_125 = arith.constant 2 : i32
          %ge3A_126 = arith.cmpi sge, %add3A_105, %ge3A_125 : i32
          %convert_element_type3A_127 = arith.extui %ge3A_126 : i1 to i32
          %cond3A_128 = arith.constant 0 : i32
          %cond3A_129 = arith.cmpi ne, %convert_element_type3A_127, %cond3A_128 : i32
          scf.if %cond3A_129 {
            %sub3A = arith.constant 2 : i32
            %sub3A_149 = arith.subi %add3A_105, %sub3A : i32
            %add3A_150 = arith.addi %mul3A_36, %sub3A_149 : i32
            %lt3A_151 = arith.constant 781 : i32
            %lt3A_152 = arith.cmpi slt, %add3A_150, %lt3A_151 : i32
            %convert_element_type3A_153 = arith.extui %lt3A_152 : i1 to i32
            %cond3A_154 = arith.constant 0 : i32
            %cond3A_155 = arith.cmpi ne, %convert_element_type3A_153, %cond3A_154 : i32
            scf.if %cond3A_155 {
              %mul3A_161 = arith.constant 128 : i32
              %mul3A_162 = arith.muli %add3A_150, %mul3A_161 : i32
              %dma_wait3A_163 = arith.constant 0 : i32
              %dma_wait3A_164 = tpu.memref_slice %arg8[%mul3A_162, %dma_wait3A_163] : memref<100000x128xf32, #tpu.memory_space<hbm>> -> memref<128x128xf32, #tpu.memory_space<hbm>>
              %dma_wait3A_165 = arith.constant 0 : i32
              %dma_wait3A_166 = tpu.memref_slice %arg8[%mul3A_162, %dma_wait3A_165] : memref<100000x128xf32, #tpu.memory_space<hbm>> -> memref<128x128xf32, #tpu.memory_space<hbm>>
              tpu.wait_dma2 semaphore(%arg24 : memref<!tpu.dma_semaphore, #tpu.memory_space<semaphore_mem>>) src(%arg13 : memref<128x128xf32, #tpu.memory_space<vmem>>) dst(%dma_wait3A_166 : memref<128x128xf32, #tpu.memory_space<hbm>>)
            } else {
            }
            %eq3A_156 = arith.constant 781 : i32
            %eq3A_157 = arith.cmpi eq, %add3A_150, %eq3A_156 : i32
            %convert_element_type3A_158 = arith.extui %eq3A_157 : i1 to i32
            %cond3A_159 = arith.constant 0 : i32
            %cond3A_160 = arith.cmpi ne, %convert_element_type3A_158, %cond3A_159 : i32
            scf.if %cond3A_160 {
              %mul3A_161 = arith.constant 128 : i32
              %mul3A_162 = arith.muli %add3A_150, %mul3A_161 : i32
              %dma_wait3A_163 = arith.constant 0 : i32
              %dma_wait3A_164 = arith.constant 0 : i32
              %dma_wait3A_165 = tpu.memref_slice %arg13[%dma_wait3A_163, %dma_wait3A_164] : memref<128x128xf32, #tpu.memory_space<vmem>> -> memref<32x128xf32, #tpu.memory_space<vmem>>
              %dma_wait3A_166 = arith.constant 0 : i32
              %dma_wait3A_167 = tpu.memref_slice %arg8[%mul3A_162, %dma_wait3A_166] : memref<100000x128xf32, #tpu.memory_space<hbm>> -> memref<32x128xf32, #tpu.memory_space<hbm>>
              %dma_wait3A_168 = arith.constant 0 : i32
              %dma_wait3A_169 = tpu.memref_slice %arg8[%mul3A_162, %dma_wait3A_168] : memref<100000x128xf32, #tpu.memory_space<hbm>> -> memref<32x128xf32, #tpu.memory_space<hbm>>
              %dma_wait3A_170 = arith.constant 0 : i32
              %dma_wait3A_171 = arith.constant 0 : i32
              %dma_wait3A_172 = tpu.memref_slice %arg13[%dma_wait3A_170, %dma_wait3A_171] : memref<128x128xf32, #tpu.memory_space<vmem>> -> memref<32x128xf32, #tpu.memory_space<vmem>>
              tpu.wait_dma2 semaphore(%arg24 : memref<!tpu.dma_semaphore, #tpu.memory_space<semaphore_mem>>) src(%dma_wait3A_172 : memref<32x128xf32, #tpu.memory_space<vmem>>) dst(%dma_wait3A_169 : memref<32x128xf32, #tpu.memory_space<hbm>>)
            } else {
            }
          } else {
          }
          %mul3A_130 = arith.constant 128 : i32
          %mul3A_131 = arith.muli %add3A_105, %mul3A_130 : i32
          %dma_wait3A_132 = tpu.memref_slice %arg9[%mul3A_131] : memref<3200xi32, #tpu.memory_space<vmem>> -> memref<128xi32, #tpu.memory_space<vmem>>
          %dma_wait3A_133 = arith.constant 0 : i32
          %dma_wait3A_134 = arith.constant 0 : i32
          %dma_wait3A_135 = tpu.memref_slice %arg14[%dma_wait3A_133, %dma_wait3A_134] : memref<512x128xf32, #tpu.memory_space<vmem_shared>> -> memref<512x128xf32, #tpu.memory_space<vmem_shared>>
          tpu.wait_indirect_dma semaphore(%arg17 : memref<!tpu.dma_semaphore, #tpu.memory_space<semaphore_mem>>) src(%dma_wait3A_135 : memref<512x128xf32, #tpu.memory_space<vmem_shared>>) dst(%arg12 : memref<128x128xf32, #tpu.memory_space<vmem>>)
          %mul3A_136 = arith.constant 128 : i32
          %mul3A_137 = arith.muli %add3A_105, %mul3A_136 : i32
          %dma_start3A_138 = tpu.memref_slice %arg10[%mul3A_137] : memref<3200xi32, #tpu.memory_space<vmem>> -> memref<128xi32, #tpu.memory_space<vmem>>
          %dma_start3A_139 = arith.constant 0 : i32
          %dma_start3A_140 = arith.constant 0 : i32
          %dma_start3A_141 = tpu.memref_slice %arg15[%dma_start3A_139, %dma_start3A_140] : memref<512x128xf32, #tpu.memory_space<vmem_shared>> -> memref<512x128xf32, #tpu.memory_space<vmem_shared>>
          tpu.enqueue_indirect_dma source(%dma_start3A_141 : memref<512x128xf32, #tpu.memory_space<vmem_shared>>) target(%arg12 : memref<128x128xf32, #tpu.memory_space<vmem>>) offsets(%dma_start3A_138 : memref<128xi32, #tpu.memory_space<vmem>>) semaphore(%arg20 : memref<!tpu.dma_semaphore, #tpu.memory_space<semaphore_mem>>)
          %add3A_142 = arith.constant 1 : i32
          %add3A_143 = arith.addi %add3A_105, %add3A_142 : i32
          %lt3A_144 = arith.constant 25 : i32
          %lt3A_145 = arith.cmpi slt, %add3A_143, %lt3A_144 : i32
          %convert_element_type3A_146 = arith.extui %lt3A_145 : i1 to i32
          %cond3A_147 = arith.constant 0 : i32
          %cond3A_148 = arith.cmpi ne, %convert_element_type3A_146, %cond3A_147 : i32
          scf.if %cond3A_148 {
            %add3A_149 = arith.constant 1 : i32
            %add3A_150 = arith.addi %add3A_105, %add3A_149 : i32
            %mul3A_151 = arith.constant 128 : i32
            %mul3A_152 = arith.muli %add3A_150, %mul3A_151 : i32
            %dma_start3A_153 = tpu.memref_slice %arg9[%mul3A_152] : memref<3200xi32, #tpu.memory_space<vmem>> -> memref<128xi32, #tpu.memory_space<vmem>>
            %dma_start3A_154 = arith.constant 0 : i32
            %dma_start3A_155 = arith.constant 0 : i32
            %dma_start3A_156 = tpu.memref_slice %arg14[%dma_start3A_154, %dma_start3A_155] : memref<512x128xf32, #tpu.memory_space<vmem_shared>> -> memref<512x128xf32, #tpu.memory_space<vmem_shared>>
            tpu.enqueue_indirect_dma source(%dma_start3A_156 : memref<512x128xf32, #tpu.memory_space<vmem_shared>>) target(%arg13 : memref<128x128xf32, #tpu.memory_space<vmem>>) offsets(%dma_start3A_153 : memref<128xi32, #tpu.memory_space<vmem>>) semaphore(%arg18 : memref<!tpu.dma_semaphore, #tpu.memory_space<semaphore_mem>>)
          } else {
          }
        } else {
        }
        %mul3A_111 = arith.constant 3 : i32
        %mul3A_112 = arith.muli %mul3A_111, %scan3A_92 : i32
        %add3A_113 = arith.constant 2 : i32
        %add3A_114 = arith.addi %mul3A_112, %add3A_113 : i32
        %lt3A_115 = arith.constant 25 : i32
        %lt3A_116 = arith.cmpi slt, %add3A_114, %lt3A_115 : i32
        %convert_element_type3A_117 = arith.extui %lt3A_116 : i1 to i32
        %cond3A_118 = arith.constant 0 : i32
        %cond3A_119 = arith.cmpi ne, %convert_element_type3A_117, %cond3A_118 : i32
        scf.if %cond3A_119 {
          %ge3A_120 = arith.constant 1 : i32
          %ge3A_121 = arith.cmpi sge, %add3A_114, %ge3A_120 : i32
          %convert_element_type3A_122 = arith.extui %ge3A_121 : i1 to i32
          %cond3A_123 = arith.constant 0 : i32
          %cond3A_124 = arith.cmpi ne, %convert_element_type3A_122, %cond3A_123 : i32
          scf.if %cond3A_124 {
            %sub3A = arith.constant 1 : i32
            %sub3A_149 = arith.subi %add3A_114, %sub3A : i32
            %mul3A_150 = arith.constant 128 : i32
            %mul3A_151 = arith.muli %sub3A_149, %mul3A_150 : i32
            %dma_wait3A_152 = tpu.memref_slice %arg10[%mul3A_151] : memref<3200xi32, #tpu.memory_space<vmem>> -> memref<128xi32, #tpu.memory_space<vmem>>
            %dma_wait3A_153 = arith.constant 0 : i32
            %dma_wait3A_154 = arith.constant 0 : i32
            %dma_wait3A_155 = tpu.memref_slice %arg15[%dma_wait3A_153, %dma_wait3A_154] : memref<512x128xf32, #tpu.memory_space<vmem_shared>> -> memref<512x128xf32, #tpu.memory_space<vmem_shared>>
            tpu.wait_indirect_dma semaphore(%arg20 : memref<!tpu.dma_semaphore, #tpu.memory_space<semaphore_mem>>) src(%dma_wait3A_155 : memref<512x128xf32, #tpu.memory_space<vmem_shared>>) dst(%arg12 : memref<128x128xf32, #tpu.memory_space<vmem>>)
            %sub3A_156 = arith.constant 1 : i32
            %sub3A_157 = arith.subi %add3A_114, %sub3A_156 : i32
            %add3A_158 = arith.addi %mul3A_36, %sub3A_157 : i32
            %lt3A_159 = arith.constant 781 : i32
            %lt3A_160 = arith.cmpi slt, %add3A_158, %lt3A_159 : i32
            %convert_element_type3A_161 = arith.extui %lt3A_160 : i1 to i32
            %cond3A_162 = arith.constant 0 : i32
            %cond3A_163 = arith.cmpi ne, %convert_element_type3A_161, %cond3A_162 : i32
            scf.if %cond3A_163 {
              %mul3A_169 = arith.constant 128 : i32
              %mul3A_170 = arith.muli %add3A_158, %mul3A_169 : i32
              %dma_start3A_171 = arith.constant 0 : i32
              %dma_start3A_172 = tpu.memref_slice %arg8[%mul3A_170, %dma_start3A_171] : memref<100000x128xf32, #tpu.memory_space<hbm>> -> memref<128x128xf32, #tpu.memory_space<hbm>>
              %dma_start3A_173 = arith.constant 0 : i32
              %dma_start3A_174 = tpu.memref_slice %arg8[%mul3A_170, %dma_start3A_173] : memref<100000x128xf32, #tpu.memory_space<hbm>> -> memref<128x128xf32, #tpu.memory_space<hbm>>
              tpu.enqueue_dma source(%arg12 : memref<128x128xf32, #tpu.memory_space<vmem>>) target(%dma_start3A_174 : memref<128x128xf32, #tpu.memory_space<hbm>>) target_semaphore(%arg23 : memref<!tpu.dma_semaphore, #tpu.memory_space<semaphore_mem>>)
            } else {
            }
            %eq3A_164 = arith.constant 781 : i32
            %eq3A_165 = arith.cmpi eq, %add3A_158, %eq3A_164 : i32
            %convert_element_type3A_166 = arith.extui %eq3A_165 : i1 to i32
            %cond3A_167 = arith.constant 0 : i32
            %cond3A_168 = arith.cmpi ne, %convert_element_type3A_166, %cond3A_167 : i32
            scf.if %cond3A_168 {
              %mul3A_169 = arith.constant 128 : i32
              %mul3A_170 = arith.muli %add3A_158, %mul3A_169 : i32
              %dma_start3A_171 = arith.constant 0 : i32
              %dma_start3A_172 = arith.constant 0 : i32
              %dma_start3A_173 = tpu.memref_slice %arg12[%dma_start3A_171, %dma_start3A_172] : memref<128x128xf32, #tpu.memory_space<vmem>> -> memref<32x128xf32, #tpu.memory_space<vmem>>
              %dma_start3A_174 = arith.constant 0 : i32
              %dma_start3A_175 = tpu.memref_slice %arg8[%mul3A_170, %dma_start3A_174] : memref<100000x128xf32, #tpu.memory_space<hbm>> -> memref<32x128xf32, #tpu.memory_space<hbm>>
              %dma_start3A_176 = arith.constant 0 : i32
              %dma_start3A_177 = tpu.memref_slice %arg8[%mul3A_170, %dma_start3A_176] : memref<100000x128xf32, #tpu.memory_space<hbm>> -> memref<32x128xf32, #tpu.memory_space<hbm>>
              %dma_start3A_178 = arith.constant 0 : i32
              %dma_start3A_179 = arith.constant 0 : i32
              %dma_start3A_180 = tpu.memref_slice %arg12[%dma_start3A_178, %dma_start3A_179] : memref<128x128xf32, #tpu.memory_space<vmem>> -> memref<32x128xf32, #tpu.memory_space<vmem>>
              tpu.enqueue_dma source(%dma_start3A_180 : memref<32x128xf32, #tpu.memory_space<vmem>>) target(%dma_start3A_177 : memref<32x128xf32, #tpu.memory_space<hbm>>) target_semaphore(%arg23 : memref<!tpu.dma_semaphore, #tpu.memory_space<semaphore_mem>>)
            } else {
            }
          } else {
          }
          %ge3A_125 = arith.constant 2 : i32
          %ge3A_126 = arith.cmpi sge, %add3A_114, %ge3A_125 : i32
          %convert_element_type3A_127 = arith.extui %ge3A_126 : i1 to i32
          %cond3A_128 = arith.constant 0 : i32
          %cond3A_129 = arith.cmpi ne, %convert_element_type3A_127, %cond3A_128 : i32
          scf.if %cond3A_129 {
            %sub3A = arith.constant 2 : i32
            %sub3A_149 = arith.subi %add3A_114, %sub3A : i32
            %add3A_150 = arith.addi %mul3A_36, %sub3A_149 : i32
            %lt3A_151 = arith.constant 781 : i32
            %lt3A_152 = arith.cmpi slt, %add3A_150, %lt3A_151 : i32
            %convert_element_type3A_153 = arith.extui %lt3A_152 : i1 to i32
            %cond3A_154 = arith.constant 0 : i32
            %cond3A_155 = arith.cmpi ne, %convert_element_type3A_153, %cond3A_154 : i32
            scf.if %cond3A_155 {
              %mul3A_161 = arith.constant 128 : i32
              %mul3A_162 = arith.muli %add3A_150, %mul3A_161 : i32
              %dma_wait3A_163 = arith.constant 0 : i32
              %dma_wait3A_164 = tpu.memref_slice %arg8[%mul3A_162, %dma_wait3A_163] : memref<100000x128xf32, #tpu.memory_space<hbm>> -> memref<128x128xf32, #tpu.memory_space<hbm>>
              %dma_wait3A_165 = arith.constant 0 : i32
              %dma_wait3A_166 = tpu.memref_slice %arg8[%mul3A_162, %dma_wait3A_165] : memref<100000x128xf32, #tpu.memory_space<hbm>> -> memref<128x128xf32, #tpu.memory_space<hbm>>
              tpu.wait_dma2 semaphore(%arg22 : memref<!tpu.dma_semaphore, #tpu.memory_space<semaphore_mem>>) src(%arg11 : memref<128x128xf32, #tpu.memory_space<vmem>>) dst(%dma_wait3A_166 : memref<128x128xf32, #tpu.memory_space<hbm>>)
            } else {
            }
            %eq3A_156 = arith.constant 781 : i32
            %eq3A_157 = arith.cmpi eq, %add3A_150, %eq3A_156 : i32
            %convert_element_type3A_158 = arith.extui %eq3A_157 : i1 to i32
            %cond3A_159 = arith.constant 0 : i32
            %cond3A_160 = arith.cmpi ne, %convert_element_type3A_158, %cond3A_159 : i32
            scf.if %cond3A_160 {
              %mul3A_161 = arith.constant 128 : i32
              %mul3A_162 = arith.muli %add3A_150, %mul3A_161 : i32
              %dma_wait3A_163 = arith.constant 0 : i32
              %dma_wait3A_164 = arith.constant 0 : i32
              %dma_wait3A_165 = tpu.memref_slice %arg11[%dma_wait3A_163, %dma_wait3A_164] : memref<128x128xf32, #tpu.memory_space<vmem>> -> memref<32x128xf32, #tpu.memory_space<vmem>>
              %dma_wait3A_166 = arith.constant 0 : i32
              %dma_wait3A_167 = tpu.memref_slice %arg8[%mul3A_162, %dma_wait3A_166] : memref<100000x128xf32, #tpu.memory_space<hbm>> -> memref<32x128xf32, #tpu.memory_space<hbm>>
              %dma_wait3A_168 = arith.constant 0 : i32
              %dma_wait3A_169 = tpu.memref_slice %arg8[%mul3A_162, %dma_wait3A_168] : memref<100000x128xf32, #tpu.memory_space<hbm>> -> memref<32x128xf32, #tpu.memory_space<hbm>>
              %dma_wait3A_170 = arith.constant 0 : i32
              %dma_wait3A_171 = arith.constant 0 : i32
              %dma_wait3A_172 = tpu.memref_slice %arg11[%dma_wait3A_170, %dma_wait3A_171] : memref<128x128xf32, #tpu.memory_space<vmem>> -> memref<32x128xf32, #tpu.memory_space<vmem>>
              tpu.wait_dma2 semaphore(%arg22 : memref<!tpu.dma_semaphore, #tpu.memory_space<semaphore_mem>>) src(%dma_wait3A_172 : memref<32x128xf32, #tpu.memory_space<vmem>>) dst(%dma_wait3A_169 : memref<32x128xf32, #tpu.memory_space<hbm>>)
            } else {
            }
          } else {
          }
          %mul3A_130 = arith.constant 128 : i32
          %mul3A_131 = arith.muli %add3A_114, %mul3A_130 : i32
          %dma_wait3A_132 = tpu.memref_slice %arg9[%mul3A_131] : memref<3200xi32, #tpu.memory_space<vmem>> -> memref<128xi32, #tpu.memory_space<vmem>>
          %dma_wait3A_133 = arith.constant 0 : i32
          %dma_wait3A_134 = arith.constant 0 : i32
          %dma_wait3A_135 = tpu.memref_slice %arg14[%dma_wait3A_133, %dma_wait3A_134] : memref<512x128xf32, #tpu.memory_space<vmem_shared>> -> memref<512x128xf32, #tpu.memory_space<vmem_shared>>
          tpu.wait_indirect_dma semaphore(%arg18 : memref<!tpu.dma_semaphore, #tpu.memory_space<semaphore_mem>>) src(%dma_wait3A_135 : memref<512x128xf32, #tpu.memory_space<vmem_shared>>) dst(%arg13 : memref<128x128xf32, #tpu.memory_space<vmem>>)
          %mul3A_136 = arith.constant 128 : i32
          %mul3A_137 = arith.muli %add3A_114, %mul3A_136 : i32
          %dma_start3A_138 = tpu.memref_slice %arg10[%mul3A_137] : memref<3200xi32, #tpu.memory_space<vmem>> -> memref<128xi32, #tpu.memory_space<vmem>>
          %dma_start3A_139 = arith.constant 0 : i32
          %dma_start3A_140 = arith.constant 0 : i32
          %dma_start3A_141 = tpu.memref_slice %arg15[%dma_start3A_139, %dma_start3A_140] : memref<512x128xf32, #tpu.memory_space<vmem_shared>> -> memref<512x128xf32, #tpu.memory_space<vmem_shared>>
          tpu.enqueue_indirect_dma source(%dma_start3A_141 : memref<512x128xf32, #tpu.memory_space<vmem_shared>>) target(%arg13 : memref<128x128xf32, #tpu.memory_space<vmem>>) offsets(%dma_start3A_138 : memref<128xi32, #tpu.memory_space<vmem>>) semaphore(%arg21 : memref<!tpu.dma_semaphore, #tpu.memory_space<semaphore_mem>>)
          %add3A_142 = arith.constant 1 : i32
          %add3A_143 = arith.addi %add3A_114, %add3A_142 : i32
          %lt3A_144 = arith.constant 25 : i32
          %lt3A_145 = arith.cmpi slt, %add3A_143, %lt3A_144 : i32
          %convert_element_type3A_146 = arith.extui %lt3A_145 : i1 to i32
          %cond3A_147 = arith.constant 0 : i32
          %cond3A_148 = arith.cmpi ne, %convert_element_type3A_146, %cond3A_147 : i32
          scf.if %cond3A_148 {
            %add3A_149 = arith.constant 1 : i32
            %add3A_150 = arith.addi %add3A_114, %add3A_149 : i32
            %mul3A_151 = arith.constant 128 : i32
            %mul3A_152 = arith.muli %add3A_150, %mul3A_151 : i32
            %dma_start3A_153 = tpu.memref_slice %arg9[%mul3A_152] : memref<3200xi32, #tpu.memory_space<vmem>> -> memref<128xi32, #tpu.memory_space<vmem>>
            %dma_start3A_154 = arith.constant 0 : i32
            %dma_start3A_155 = arith.constant 0 : i32
            %dma_start3A_156 = tpu.memref_slice %arg14[%dma_start3A_154, %dma_start3A_155] : memref<512x128xf32, #tpu.memory_space<vmem_shared>> -> memref<512x128xf32, #tpu.memory_space<vmem_shared>>
            tpu.enqueue_indirect_dma source(%dma_start3A_156 : memref<512x128xf32, #tpu.memory_space<vmem_shared>>) target(%arg11 : memref<128x128xf32, #tpu.memory_space<vmem>>) offsets(%dma_start3A_153 : memref<128xi32, #tpu.memory_space<vmem>>) semaphore(%arg16 : memref<!tpu.dma_semaphore, #tpu.memory_space<semaphore_mem>>)
          } else {
          }
        } else {
        }
      }
      %scan3A_50 = arith.constant 9 : i32
      %dma_wait3A_51 = arith.constant 3072 : i32
      %dma_wait3A_52 = tpu.memref_slice %arg10[%dma_wait3A_51] : memref<3200xi32, #tpu.memory_space<vmem>> -> memref<128xi32, #tpu.memory_space<vmem>>
      %dma_wait3A_53 = arith.constant 0 : i32
      %dma_wait3A_54 = arith.constant 0 : i32
      %dma_wait3A_55 = tpu.memref_slice %arg15[%dma_wait3A_53, %dma_wait3A_54] : memref<512x128xf32, #tpu.memory_space<vmem_shared>> -> memref<512x128xf32, #tpu.memory_space<vmem_shared>>
      tpu.wait_indirect_dma semaphore(%arg19 : memref<!tpu.dma_semaphore, #tpu.memory_space<semaphore_mem>>) src(%dma_wait3A_55 : memref<512x128xf32, #tpu.memory_space<vmem_shared>>) dst(%arg11 : memref<128x128xf32, #tpu.memory_space<vmem>>)
      %add3A_56 = arith.constant 24 : i32
      %add3A_57 = arith.addi %mul3A_36, %add3A_56 : i32
      %lt3A_58 = arith.constant 781 : i32
      %lt3A_59 = arith.cmpi slt, %add3A_57, %lt3A_58 : i32
      %convert_element_type3A_60 = arith.extui %lt3A_59 : i1 to i32
      %cond3A_61 = arith.constant 0 : i32
      %cond3A_62 = arith.cmpi ne, %convert_element_type3A_60, %cond3A_61 : i32
      scf.if %cond3A_62 {
        %mul3A_92 = arith.constant 128 : i32
        %mul3A_93 = arith.muli %add3A_57, %mul3A_92 : i32
        %dma_start3A_94 = arith.constant 0 : i32
        %dma_start3A_95 = tpu.memref_slice %arg8[%mul3A_93, %dma_start3A_94] : memref<100000x128xf32, #tpu.memory_space<hbm>> -> memref<128x128xf32, #tpu.memory_space<hbm>>
        %dma_start3A_96 = arith.constant 0 : i32
        %dma_start3A_97 = tpu.memref_slice %arg8[%mul3A_93, %dma_start3A_96] : memref<100000x128xf32, #tpu.memory_space<hbm>> -> memref<128x128xf32, #tpu.memory_space<hbm>>
        tpu.enqueue_dma source(%arg11 : memref<128x128xf32, #tpu.memory_space<vmem>>) target(%dma_start3A_97 : memref<128x128xf32, #tpu.memory_space<hbm>>) target_semaphore(%arg22 : memref<!tpu.dma_semaphore, #tpu.memory_space<semaphore_mem>>)
      } else {
      }
      %eq3A_63 = arith.constant 781 : i32
      %eq3A_64 = arith.cmpi eq, %add3A_57, %eq3A_63 : i32
      %convert_element_type3A_65 = arith.extui %eq3A_64 : i1 to i32
      %cond3A_66 = arith.constant 0 : i32
      %cond3A_67 = arith.cmpi ne, %convert_element_type3A_65, %cond3A_66 : i32
      scf.if %cond3A_67 {
        %mul3A_92 = arith.constant 128 : i32
        %mul3A_93 = arith.muli %add3A_57, %mul3A_92 : i32
        %dma_start3A_94 = arith.constant 0 : i32
        %dma_start3A_95 = arith.constant 0 : i32
        %dma_start3A_96 = tpu.memref_slice %arg11[%dma_start3A_94, %dma_start3A_95] : memref<128x128xf32, #tpu.memory_space<vmem>> -> memref<32x128xf32, #tpu.memory_space<vmem>>
        %dma_start3A_97 = arith.constant 0 : i32
        %dma_start3A_98 = tpu.memref_slice %arg8[%mul3A_93, %dma_start3A_97] : memref<100000x128xf32, #tpu.memory_space<hbm>> -> memref<32x128xf32, #tpu.memory_space<hbm>>
        %dma_start3A_99 = arith.constant 0 : i32
        %dma_start3A_100 = tpu.memref_slice %arg8[%mul3A_93, %dma_start3A_99] : memref<100000x128xf32, #tpu.memory_space<hbm>> -> memref<32x128xf32, #tpu.memory_space<hbm>>
        %dma_start3A_101 = arith.constant 0 : i32
        %dma_start3A_102 = arith.constant 0 : i32
        %dma_start3A_103 = tpu.memref_slice %arg11[%dma_start3A_101, %dma_start3A_102] : memref<128x128xf32, #tpu.memory_space<vmem>> -> memref<32x128xf32, #tpu.memory_space<vmem>>
        tpu.enqueue_dma source(%dma_start3A_103 : memref<32x128xf32, #tpu.memory_space<vmem>>) target(%dma_start3A_100 : memref<32x128xf32, #tpu.memory_space<hbm>>) target_semaphore(%arg22 : memref<!tpu.dma_semaphore, #tpu.memory_space<semaphore_mem>>)
      } else {
      }
      %add3A_68 = arith.constant 23 : i32
      %add3A_69 = arith.addi %mul3A_36, %add3A_68 : i32
      %lt3A_70 = arith.constant 781 : i32
      %lt3A_71 = arith.cmpi slt, %add3A_69, %lt3A_70 : i32
      %convert_element_type3A_72 = arith.extui %lt3A_71 : i1 to i32
      %cond3A_73 = arith.constant 0 : i32
      %cond3A_74 = arith.cmpi ne, %convert_element_type3A_72, %cond3A_73 : i32
      scf.if %cond3A_74 {
        %mul3A_92 = arith.constant 128 : i32
        %mul3A_93 = arith.muli %add3A_69, %mul3A_92 : i32
        %dma_wait3A_94 = arith.constant 0 : i32
        %dma_wait3A_95 = tpu.memref_slice %arg8[%mul3A_93, %dma_wait3A_94] : memref<100000x128xf32, #tpu.memory_space<hbm>> -> memref<128x128xf32, #tpu.memory_space<hbm>>
        %dma_wait3A_96 = arith.constant 0 : i32
        %dma_wait3A_97 = tpu.memref_slice %arg8[%mul3A_93, %dma_wait3A_96] : memref<100000x128xf32, #tpu.memory_space<hbm>> -> memref<128x128xf32, #tpu.memory_space<hbm>>
        tpu.wait_dma2 semaphore(%arg24 : memref<!tpu.dma_semaphore, #tpu.memory_space<semaphore_mem>>) src(%arg13 : memref<128x128xf32, #tpu.memory_space<vmem>>) dst(%dma_wait3A_97 : memref<128x128xf32, #tpu.memory_space<hbm>>)
      } else {
      }
      %eq3A_75 = arith.constant 781 : i32
      %eq3A_76 = arith.cmpi eq, %add3A_69, %eq3A_75 : i32
      %convert_element_type3A_77 = arith.extui %eq3A_76 : i1 to i32
      %cond3A_78 = arith.constant 0 : i32
      %cond3A_79 = arith.cmpi ne, %convert_element_type3A_77, %cond3A_78 : i32
      scf.if %cond3A_79 {
        %mul3A_92 = arith.constant 128 : i32
        %mul3A_93 = arith.muli %add3A_69, %mul3A_92 : i32
        %dma_wait3A_94 = arith.constant 0 : i32
        %dma_wait3A_95 = arith.constant 0 : i32
        %dma_wait3A_96 = tpu.memref_slice %arg13[%dma_wait3A_94, %dma_wait3A_95] : memref<128x128xf32, #tpu.memory_space<vmem>> -> memref<32x128xf32, #tpu.memory_space<vmem>>
        %dma_wait3A_97 = arith.constant 0 : i32
        %dma_wait3A_98 = tpu.memref_slice %arg8[%mul3A_93, %dma_wait3A_97] : memref<100000x128xf32, #tpu.memory_space<hbm>> -> memref<32x128xf32, #tpu.memory_space<hbm>>
        %dma_wait3A_99 = arith.constant 0 : i32
        %dma_wait3A_100 = tpu.memref_slice %arg8[%mul3A_93, %dma_wait3A_99] : memref<100000x128xf32, #tpu.memory_space<hbm>> -> memref<32x128xf32, #tpu.memory_space<hbm>>
        %dma_wait3A_101 = arith.constant 0 : i32
        %dma_wait3A_102 = arith.constant 0 : i32
        %dma_wait3A_103 = tpu.memref_slice %arg13[%dma_wait3A_101, %dma_wait3A_102] : memref<128x128xf32, #tpu.memory_space<vmem>> -> memref<32x128xf32, #tpu.memory_space<vmem>>
        tpu.wait_dma2 semaphore(%arg24 : memref<!tpu.dma_semaphore, #tpu.memory_space<semaphore_mem>>) src(%dma_wait3A_103 : memref<32x128xf32, #tpu.memory_space<vmem>>) dst(%dma_wait3A_100 : memref<32x128xf32, #tpu.memory_space<hbm>>)
      } else {
      }
      %add3A_80 = arith.constant 24 : i32
      %add3A_81 = arith.addi %mul3A_36, %add3A_80 : i32
      %lt3A_82 = arith.constant 781 : i32
      %lt3A_83 = arith.cmpi slt, %add3A_81, %lt3A_82 : i32
      %convert_element_type3A_84 = arith.extui %lt3A_83 : i1 to i32
      %cond3A_85 = arith.constant 0 : i32
      %cond3A_86 = arith.cmpi ne, %convert_element_type3A_84, %cond3A_85 : i32
      scf.if %cond3A_86 {
        %mul3A_92 = arith.constant 128 : i32
        %mul3A_93 = arith.muli %add3A_81, %mul3A_92 : i32
        %dma_wait3A_94 = arith.constant 0 : i32
        %dma_wait3A_95 = tpu.memref_slice %arg8[%mul3A_93, %dma_wait3A_94] : memref<100000x128xf32, #tpu.memory_space<hbm>> -> memref<128x128xf32, #tpu.memory_space<hbm>>
        %dma_wait3A_96 = arith.constant 0 : i32
        %dma_wait3A_97 = tpu.memref_slice %arg8[%mul3A_93, %dma_wait3A_96] : memref<100000x128xf32, #tpu.memory_space<hbm>> -> memref<128x128xf32, #tpu.memory_space<hbm>>
        tpu.wait_dma2 semaphore(%arg22 : memref<!tpu.dma_semaphore, #tpu.memory_space<semaphore_mem>>) src(%arg11 : memref<128x128xf32, #tpu.memory_space<vmem>>) dst(%dma_wait3A_97 : memref<128x128xf32, #tpu.memory_space<hbm>>)
      } else {
      }
      %eq3A_87 = arith.constant 781 : i32
      %eq3A_88 = arith.cmpi eq, %add3A_81, %eq3A_87 : i32
      %convert_element_type3A_89 = arith.extui %eq3A_88 : i1 to i32
      %cond3A_90 = arith.constant 0 : i32
      %cond3A_91 = arith.cmpi ne, %convert_element_type3A_89, %cond3A_90 : i32
      scf.if %cond3A_91 {
        %mul3A_92 = arith.constant 128 : i32
        %mul3A_93 = arith.muli %add3A_81, %mul3A_92 : i32
        %dma_wait3A_94 = arith.constant 0 : i32
        %dma_wait3A_95 = arith.constant 0 : i32
        %dma_wait3A_96 = tpu.memref_slice %arg11[%dma_wait3A_94, %dma_wait3A_95] : memref<128x128xf32, #tpu.memory_space<vmem>> -> memref<32x128xf32, #tpu.memory_space<vmem>>
        %dma_wait3A_97 = arith.constant 0 : i32
        %dma_wait3A_98 = tpu.memref_slice %arg8[%mul3A_93, %dma_wait3A_97] : memref<100000x128xf32, #tpu.memory_space<hbm>> -> memref<32x128xf32, #tpu.memory_space<hbm>>
        %dma_wait3A_99 = arith.constant 0 : i32
        %dma_wait3A_100 = tpu.memref_slice %arg8[%mul3A_93, %dma_wait3A_99] : memref<100000x128xf32, #tpu.memory_space<hbm>> -> memref<32x128xf32, #tpu.memory_space<hbm>>
        %dma_wait3A_101 = arith.constant 0 : i32
        %dma_wait3A_102 = arith.constant 0 : i32
        %dma_wait3A_103 = tpu.memref_slice %arg11[%dma_wait3A_101, %dma_wait3A_102] : memref<128x128xf32, #tpu.memory_space<vmem>> -> memref<32x128xf32, #tpu.memory_space<vmem>>
        tpu.wait_dma2 semaphore(%arg22 : memref<!tpu.dma_semaphore, #tpu.memory_space<semaphore_mem>>) src(%dma_wait3A_103 : memref<32x128xf32, #tpu.memory_space<vmem>>) dst(%dma_wait3A_100 : memref<32x128xf32, #tpu.memory_space<hbm>>)
      } else {
      }
    } else {
    }
    %ge3A = arith.constant 14 : i32
    %ge3A_25 = arith.cmpi sge, %add3A, %ge3A : i32
    %lt3A_26 = arith.constant 31 : i32
    %lt3A_27 = arith.cmpi slt, %add3A, %lt3A_26 : i32
    %and3A = arith.andi %ge3A_25, %lt3A_27 : i1
    %convert_element_type3A_28 = arith.extui %and3A : i1 to i32
    %cond3A_29 = arith.constant 0 : i32
    %cond3A_30 = arith.cmpi ne, %convert_element_type3A_28, %cond3A_29 : i32
    scf.if %cond3A_30 {
      %sub3A = arith.constant 14 : i32
      %sub3A_35 = arith.subi %add3A, %sub3A : i32
      %mul3A_36 = arith.constant 24 : i32
      %mul3A_37 = arith.muli %sub3A_35, %mul3A_36 : i32
      %add3A_38 = arith.constant 350 : i32
      %add3A_39 = arith.addi %add3A_38, %mul3A_37 : i32
      %mul3A_40 = arith.constant 128 : i32
      %mul3A_41 = arith.muli %add3A_39, %mul3A_40 : i32
      "tpu.region"() ({
        %run_scoped3A = tpu.sem_alloc : memref<!tpu.dma_semaphore, #tpu.memory_space<semaphore_mem>>
        %dma_start3A_95 = arith.constant 0 : i32
        %dma_start3A_96 = tpu.memref_slice %arg9[%dma_start3A_95] : memref<3200xi32, #tpu.memory_space<vmem>> -> memref<3072xi32, #tpu.memory_space<vmem>>
        %dma_start3A_97 = tpu.memref_slice %arg2[%mul3A_41] : memref<100000xi32, #tpu.memory_space<hbm>> -> memref<3072xi32, #tpu.memory_space<hbm>>
        %dma_start3A_98 = arith.constant 0 : i32
        %dma_start3A_99 = tpu.memref_slice %arg9[%dma_start3A_98] : memref<3200xi32, #tpu.memory_space<vmem>> -> memref<3072xi32, #tpu.memory_space<vmem>>
        %dma_start3A_100 = tpu.memref_slice %arg2[%mul3A_41] : memref<100000xi32, #tpu.memory_space<hbm>> -> memref<3072xi32, #tpu.memory_space<hbm>>
        tpu.enqueue_dma source(%dma_start3A_100 : memref<3072xi32, #tpu.memory_space<hbm>>) target(%dma_start3A_99 : memref<3072xi32, #tpu.memory_space<vmem>>) target_semaphore(%run_scoped3A : memref<!tpu.dma_semaphore, #tpu.memory_space<semaphore_mem>>)
        %dma_wait3A_101 = arith.constant 0 : i32
        %dma_wait3A_102 = tpu.memref_slice %arg9[%dma_wait3A_101] : memref<3200xi32, #tpu.memory_space<vmem>> -> memref<3072xi32, #tpu.memory_space<vmem>>
        %dma_wait3A_103 = tpu.memref_slice %arg2[%mul3A_41] : memref<100000xi32, #tpu.memory_space<hbm>> -> memref<3072xi32, #tpu.memory_space<hbm>>
        %dma_wait3A_104 = arith.constant 0 : i32
        %dma_wait3A_105 = tpu.memref_slice %arg9[%dma_wait3A_104] : memref<3200xi32, #tpu.memory_space<vmem>> -> memref<3072xi32, #tpu.memory_space<vmem>>
        %dma_wait3A_106 = tpu.memref_slice %arg2[%mul3A_41] : memref<100000xi32, #tpu.memory_space<hbm>> -> memref<3072xi32, #tpu.memory_space<hbm>>
        tpu.wait_dma2 semaphore(%run_scoped3A : memref<!tpu.dma_semaphore, #tpu.memory_space<semaphore_mem>>) src(%dma_wait3A_106 : memref<3072xi32, #tpu.memory_space<hbm>>) dst(%dma_wait3A_105 : memref<3072xi32, #tpu.memory_space<vmem>>)
        tpu.yield
      }) : () -> ()
      %mul3A_42 = arith.constant 128 : i32
      %mul3A_43 = arith.muli %add3A_39, %mul3A_42 : i32
      "tpu.region"() ({
        %run_scoped3A = tpu.sem_alloc : memref<!tpu.dma_semaphore, #tpu.memory_space<semaphore_mem>>
        %dma_start3A_95 = arith.constant 0 : i32
        %dma_start3A_96 = tpu.memref_slice %arg10[%dma_start3A_95] : memref<3200xi32, #tpu.memory_space<vmem>> -> memref<3072xi32, #tpu.memory_space<vmem>>
        %dma_start3A_97 = tpu.memref_slice %arg3[%mul3A_43] : memref<100000xi32, #tpu.memory_space<hbm>> -> memref<3072xi32, #tpu.memory_space<hbm>>
        %dma_start3A_98 = arith.constant 0 : i32
        %dma_start3A_99 = tpu.memref_slice %arg10[%dma_start3A_98] : memref<3200xi32, #tpu.memory_space<vmem>> -> memref<3072xi32, #tpu.memory_space<vmem>>
        %dma_start3A_100 = tpu.memref_slice %arg3[%mul3A_43] : memref<100000xi32, #tpu.memory_space<hbm>> -> memref<3072xi32, #tpu.memory_space<hbm>>
        tpu.enqueue_dma source(%dma_start3A_100 : memref<3072xi32, #tpu.memory_space<hbm>>) target(%dma_start3A_99 : memref<3072xi32, #tpu.memory_space<vmem>>) target_semaphore(%run_scoped3A : memref<!tpu.dma_semaphore, #tpu.memory_space<semaphore_mem>>)
        %dma_wait3A_101 = arith.constant 0 : i32
        %dma_wait3A_102 = tpu.memref_slice %arg10[%dma_wait3A_101] : memref<3200xi32, #tpu.memory_space<vmem>> -> memref<3072xi32, #tpu.memory_space<vmem>>
        %dma_wait3A_103 = tpu.memref_slice %arg3[%mul3A_43] : memref<100000xi32, #tpu.memory_space<hbm>> -> memref<3072xi32, #tpu.memory_space<hbm>>
        %dma_wait3A_104 = arith.constant 0 : i32
        %dma_wait3A_105 = tpu.memref_slice %arg10[%dma_wait3A_104] : memref<3200xi32, #tpu.memory_space<vmem>> -> memref<3072xi32, #tpu.memory_space<vmem>>
        %dma_wait3A_106 = tpu.memref_slice %arg3[%mul3A_43] : memref<100000xi32, #tpu.memory_space<hbm>> -> memref<3072xi32, #tpu.memory_space<hbm>>
        tpu.wait_dma2 semaphore(%run_scoped3A : memref<!tpu.dma_semaphore, #tpu.memory_space<semaphore_mem>>) src(%dma_wait3A_106 : memref<3072xi32, #tpu.memory_space<hbm>>) dst(%dma_wait3A_105 : memref<3072xi32, #tpu.memory_space<vmem>>)
        tpu.yield
      }) : () -> ()
      %dma_start3A_44 = arith.constant 0 : i32
      %dma_start3A_45 = tpu.memref_slice %arg9[%dma_start3A_44] : memref<3200xi32, #tpu.memory_space<vmem>> -> memref<128xi32, #tpu.memory_space<vmem>>
      %dma_start3A_46 = arith.constant 0 : i32
      %dma_start3A_47 = arith.constant 0 : i32
      %dma_start3A_48 = tpu.memref_slice %arg14[%dma_start3A_46, %dma_start3A_47] : memref<512x128xf32, #tpu.memory_space<vmem_shared>> -> memref<512x128xf32, #tpu.memory_space<vmem_shared>>
      tpu.enqueue_indirect_dma source(%dma_start3A_48 : memref<512x128xf32, #tpu.memory_space<vmem_shared>>) target(%arg11 : memref<128x128xf32, #tpu.memory_space<vmem>>) offsets(%dma_start3A_45 : memref<128xi32, #tpu.memory_space<vmem>>) semaphore(%arg16 : memref<!tpu.dma_semaphore, #tpu.memory_space<semaphore_mem>>)
      %scan3A = arith.constant 0 : i32
      %scan3A_49 = arith.constant 0 : i32
      %scan3A_50 = arith.constant 8 : i32
      %scan3A_51 = arith.addi %scan3A_49, %scan3A_50 : i32
      %scan3A_52 = arith.constant 1 : i32
      scf.for %scan3A_95 = %scan3A_49 to %scan3A_51 step %scan3A_52  : i32 {
        %mul3A_96 = arith.constant 3 : i32
        %mul3A_97 = arith.muli %mul3A_96, %scan3A_95 : i32
        %add3A_98 = arith.constant 0 : i32
        %add3A_99 = arith.addi %mul3A_97, %add3A_98 : i32
        %lt3A_100 = arith.constant 24 : i32
        %lt3A_101 = arith.cmpi slt, %add3A_99, %lt3A_100 : i32
        %convert_element_type3A_102 = arith.extui %lt3A_101 : i1 to i32
        %cond3A_103 = arith.constant 0 : i32
        %cond3A_104 = arith.cmpi ne, %convert_element_type3A_102, %cond3A_103 : i32
        scf.if %cond3A_104 {
          %ge3A_123 = arith.constant 1 : i32
          %ge3A_124 = arith.cmpi sge, %add3A_99, %ge3A_123 : i32
          %convert_element_type3A_125 = arith.extui %ge3A_124 : i1 to i32
          %cond3A_126 = arith.constant 0 : i32
          %cond3A_127 = arith.cmpi ne, %convert_element_type3A_125, %cond3A_126 : i32
          scf.if %cond3A_127 {
            %sub3A_152 = arith.constant 1 : i32
            %sub3A_153 = arith.subi %add3A_99, %sub3A_152 : i32
            %mul3A_154 = arith.constant 128 : i32
            %mul3A_155 = arith.muli %sub3A_153, %mul3A_154 : i32
            %dma_wait3A_156 = tpu.memref_slice %arg10[%mul3A_155] : memref<3200xi32, #tpu.memory_space<vmem>> -> memref<128xi32, #tpu.memory_space<vmem>>
            %dma_wait3A_157 = arith.constant 0 : i32
            %dma_wait3A_158 = arith.constant 0 : i32
            %dma_wait3A_159 = tpu.memref_slice %arg15[%dma_wait3A_157, %dma_wait3A_158] : memref<512x128xf32, #tpu.memory_space<vmem_shared>> -> memref<512x128xf32, #tpu.memory_space<vmem_shared>>
            tpu.wait_indirect_dma semaphore(%arg21 : memref<!tpu.dma_semaphore, #tpu.memory_space<semaphore_mem>>) src(%dma_wait3A_159 : memref<512x128xf32, #tpu.memory_space<vmem_shared>>) dst(%arg13 : memref<128x128xf32, #tpu.memory_space<vmem>>)
            %sub3A_160 = arith.constant 1 : i32
            %sub3A_161 = arith.subi %add3A_99, %sub3A_160 : i32
            %add3A_162 = arith.addi %add3A_39, %sub3A_161 : i32
            %lt3A_163 = arith.constant 781 : i32
            %lt3A_164 = arith.cmpi slt, %add3A_162, %lt3A_163 : i32
            %convert_element_type3A_165 = arith.extui %lt3A_164 : i1 to i32
            %cond3A_166 = arith.constant 0 : i32
            %cond3A_167 = arith.cmpi ne, %convert_element_type3A_165, %cond3A_166 : i32
            scf.if %cond3A_167 {
              %mul3A_173 = arith.constant 128 : i32
              %mul3A_174 = arith.muli %add3A_162, %mul3A_173 : i32
              %dma_start3A_175 = arith.constant 0 : i32
              %dma_start3A_176 = tpu.memref_slice %arg8[%mul3A_174, %dma_start3A_175] : memref<100000x128xf32, #tpu.memory_space<hbm>> -> memref<128x128xf32, #tpu.memory_space<hbm>>
              %dma_start3A_177 = arith.constant 0 : i32
              %dma_start3A_178 = tpu.memref_slice %arg8[%mul3A_174, %dma_start3A_177] : memref<100000x128xf32, #tpu.memory_space<hbm>> -> memref<128x128xf32, #tpu.memory_space<hbm>>
              tpu.enqueue_dma source(%arg13 : memref<128x128xf32, #tpu.memory_space<vmem>>) target(%dma_start3A_178 : memref<128x128xf32, #tpu.memory_space<hbm>>) target_semaphore(%arg24 : memref<!tpu.dma_semaphore, #tpu.memory_space<semaphore_mem>>)
            } else {
            }
            %eq3A_168 = arith.constant 781 : i32
            %eq3A_169 = arith.cmpi eq, %add3A_162, %eq3A_168 : i32
            %convert_element_type3A_170 = arith.extui %eq3A_169 : i1 to i32
            %cond3A_171 = arith.constant 0 : i32
            %cond3A_172 = arith.cmpi ne, %convert_element_type3A_170, %cond3A_171 : i32
            scf.if %cond3A_172 {
              %mul3A_173 = arith.constant 128 : i32
              %mul3A_174 = arith.muli %add3A_162, %mul3A_173 : i32
              %dma_start3A_175 = arith.constant 0 : i32
              %dma_start3A_176 = arith.constant 0 : i32
              %dma_start3A_177 = tpu.memref_slice %arg13[%dma_start3A_175, %dma_start3A_176] : memref<128x128xf32, #tpu.memory_space<vmem>> -> memref<32x128xf32, #tpu.memory_space<vmem>>
              %dma_start3A_178 = arith.constant 0 : i32
              %dma_start3A_179 = tpu.memref_slice %arg8[%mul3A_174, %dma_start3A_178] : memref<100000x128xf32, #tpu.memory_space<hbm>> -> memref<32x128xf32, #tpu.memory_space<hbm>>
              %dma_start3A_180 = arith.constant 0 : i32
              %dma_start3A_181 = tpu.memref_slice %arg8[%mul3A_174, %dma_start3A_180] : memref<100000x128xf32, #tpu.memory_space<hbm>> -> memref<32x128xf32, #tpu.memory_space<hbm>>
              %dma_start3A_182 = arith.constant 0 : i32
              %dma_start3A_183 = arith.constant 0 : i32
              %dma_start3A_184 = tpu.memref_slice %arg13[%dma_start3A_182, %dma_start3A_183] : memref<128x128xf32, #tpu.memory_space<vmem>> -> memref<32x128xf32, #tpu.memory_space<vmem>>
              tpu.enqueue_dma source(%dma_start3A_184 : memref<32x128xf32, #tpu.memory_space<vmem>>) target(%dma_start3A_181 : memref<32x128xf32, #tpu.memory_space<hbm>>) target_semaphore(%arg24 : memref<!tpu.dma_semaphore, #tpu.memory_space<semaphore_mem>>)
            } else {
            }
          } else {
          }
          %ge3A_128 = arith.constant 2 : i32
          %ge3A_129 = arith.cmpi sge, %add3A_99, %ge3A_128 : i32
          %convert_element_type3A_130 = arith.extui %ge3A_129 : i1 to i32
          %cond3A_131 = arith.constant 0 : i32
          %cond3A_132 = arith.cmpi ne, %convert_element_type3A_130, %cond3A_131 : i32
          scf.if %cond3A_132 {
            %sub3A_152 = arith.constant 2 : i32
            %sub3A_153 = arith.subi %add3A_99, %sub3A_152 : i32
            %add3A_154 = arith.addi %add3A_39, %sub3A_153 : i32
            %lt3A_155 = arith.constant 781 : i32
            %lt3A_156 = arith.cmpi slt, %add3A_154, %lt3A_155 : i32
            %convert_element_type3A_157 = arith.extui %lt3A_156 : i1 to i32
            %cond3A_158 = arith.constant 0 : i32
            %cond3A_159 = arith.cmpi ne, %convert_element_type3A_157, %cond3A_158 : i32
            scf.if %cond3A_159 {
              %mul3A_165 = arith.constant 128 : i32
              %mul3A_166 = arith.muli %add3A_154, %mul3A_165 : i32
              %dma_wait3A_167 = arith.constant 0 : i32
              %dma_wait3A_168 = tpu.memref_slice %arg8[%mul3A_166, %dma_wait3A_167] : memref<100000x128xf32, #tpu.memory_space<hbm>> -> memref<128x128xf32, #tpu.memory_space<hbm>>
              %dma_wait3A_169 = arith.constant 0 : i32
              %dma_wait3A_170 = tpu.memref_slice %arg8[%mul3A_166, %dma_wait3A_169] : memref<100000x128xf32, #tpu.memory_space<hbm>> -> memref<128x128xf32, #tpu.memory_space<hbm>>
              tpu.wait_dma2 semaphore(%arg23 : memref<!tpu.dma_semaphore, #tpu.memory_space<semaphore_mem>>) src(%arg12 : memref<128x128xf32, #tpu.memory_space<vmem>>) dst(%dma_wait3A_170 : memref<128x128xf32, #tpu.memory_space<hbm>>)
            } else {
            }
            %eq3A_160 = arith.constant 781 : i32
            %eq3A_161 = arith.cmpi eq, %add3A_154, %eq3A_160 : i32
            %convert_element_type3A_162 = arith.extui %eq3A_161 : i1 to i32
            %cond3A_163 = arith.constant 0 : i32
            %cond3A_164 = arith.cmpi ne, %convert_element_type3A_162, %cond3A_163 : i32
            scf.if %cond3A_164 {
              %mul3A_165 = arith.constant 128 : i32
              %mul3A_166 = arith.muli %add3A_154, %mul3A_165 : i32
              %dma_wait3A_167 = arith.constant 0 : i32
              %dma_wait3A_168 = arith.constant 0 : i32
              %dma_wait3A_169 = tpu.memref_slice %arg12[%dma_wait3A_167, %dma_wait3A_168] : memref<128x128xf32, #tpu.memory_space<vmem>> -> memref<32x128xf32, #tpu.memory_space<vmem>>
              %dma_wait3A_170 = arith.constant 0 : i32
              %dma_wait3A_171 = tpu.memref_slice %arg8[%mul3A_166, %dma_wait3A_170] : memref<100000x128xf32, #tpu.memory_space<hbm>> -> memref<32x128xf32, #tpu.memory_space<hbm>>
              %dma_wait3A_172 = arith.constant 0 : i32
              %dma_wait3A_173 = tpu.memref_slice %arg8[%mul3A_166, %dma_wait3A_172] : memref<100000x128xf32, #tpu.memory_space<hbm>> -> memref<32x128xf32, #tpu.memory_space<hbm>>
              %dma_wait3A_174 = arith.constant 0 : i32
              %dma_wait3A_175 = arith.constant 0 : i32
              %dma_wait3A_176 = tpu.memref_slice %arg12[%dma_wait3A_174, %dma_wait3A_175] : memref<128x128xf32, #tpu.memory_space<vmem>> -> memref<32x128xf32, #tpu.memory_space<vmem>>
              tpu.wait_dma2 semaphore(%arg23 : memref<!tpu.dma_semaphore, #tpu.memory_space<semaphore_mem>>) src(%dma_wait3A_176 : memref<32x128xf32, #tpu.memory_space<vmem>>) dst(%dma_wait3A_173 : memref<32x128xf32, #tpu.memory_space<hbm>>)
            } else {
            }
          } else {
          }
          %mul3A_133 = arith.constant 128 : i32
          %mul3A_134 = arith.muli %add3A_99, %mul3A_133 : i32
          %dma_wait3A_135 = tpu.memref_slice %arg9[%mul3A_134] : memref<3200xi32, #tpu.memory_space<vmem>> -> memref<128xi32, #tpu.memory_space<vmem>>
          %dma_wait3A_136 = arith.constant 0 : i32
          %dma_wait3A_137 = arith.constant 0 : i32
          %dma_wait3A_138 = tpu.memref_slice %arg14[%dma_wait3A_136, %dma_wait3A_137] : memref<512x128xf32, #tpu.memory_space<vmem_shared>> -> memref<512x128xf32, #tpu.memory_space<vmem_shared>>
          tpu.wait_indirect_dma semaphore(%arg16 : memref<!tpu.dma_semaphore, #tpu.memory_space<semaphore_mem>>) src(%dma_wait3A_138 : memref<512x128xf32, #tpu.memory_space<vmem_shared>>) dst(%arg11 : memref<128x128xf32, #tpu.memory_space<vmem>>)
          %mul3A_139 = arith.constant 128 : i32
          %mul3A_140 = arith.muli %add3A_99, %mul3A_139 : i32
          %dma_start3A_141 = tpu.memref_slice %arg10[%mul3A_140] : memref<3200xi32, #tpu.memory_space<vmem>> -> memref<128xi32, #tpu.memory_space<vmem>>
          %dma_start3A_142 = arith.constant 0 : i32
          %dma_start3A_143 = arith.constant 0 : i32
          %dma_start3A_144 = tpu.memref_slice %arg15[%dma_start3A_142, %dma_start3A_143] : memref<512x128xf32, #tpu.memory_space<vmem_shared>> -> memref<512x128xf32, #tpu.memory_space<vmem_shared>>
          tpu.enqueue_indirect_dma source(%dma_start3A_144 : memref<512x128xf32, #tpu.memory_space<vmem_shared>>) target(%arg11 : memref<128x128xf32, #tpu.memory_space<vmem>>) offsets(%dma_start3A_141 : memref<128xi32, #tpu.memory_space<vmem>>) semaphore(%arg19 : memref<!tpu.dma_semaphore, #tpu.memory_space<semaphore_mem>>)
          %add3A_145 = arith.constant 1 : i32
          %add3A_146 = arith.addi %add3A_99, %add3A_145 : i32
          %lt3A_147 = arith.constant 24 : i32
          %lt3A_148 = arith.cmpi slt, %add3A_146, %lt3A_147 : i32
          %convert_element_type3A_149 = arith.extui %lt3A_148 : i1 to i32
          %cond3A_150 = arith.constant 0 : i32
          %cond3A_151 = arith.cmpi ne, %convert_element_type3A_149, %cond3A_150 : i32
          scf.if %cond3A_151 {
            %add3A_152 = arith.constant 1 : i32
            %add3A_153 = arith.addi %add3A_99, %add3A_152 : i32
            %mul3A_154 = arith.constant 128 : i32
            %mul3A_155 = arith.muli %add3A_153, %mul3A_154 : i32
            %dma_start3A_156 = tpu.memref_slice %arg9[%mul3A_155] : memref<3200xi32, #tpu.memory_space<vmem>> -> memref<128xi32, #tpu.memory_space<vmem>>
            %dma_start3A_157 = arith.constant 0 : i32
            %dma_start3A_158 = arith.constant 0 : i32
            %dma_start3A_159 = tpu.memref_slice %arg14[%dma_start3A_157, %dma_start3A_158] : memref<512x128xf32, #tpu.memory_space<vmem_shared>> -> memref<512x128xf32, #tpu.memory_space<vmem_shared>>
            tpu.enqueue_indirect_dma source(%dma_start3A_159 : memref<512x128xf32, #tpu.memory_space<vmem_shared>>) target(%arg12 : memref<128x128xf32, #tpu.memory_space<vmem>>) offsets(%dma_start3A_156 : memref<128xi32, #tpu.memory_space<vmem>>) semaphore(%arg17 : memref<!tpu.dma_semaphore, #tpu.memory_space<semaphore_mem>>)
          } else {
          }
        } else {
        }
        %mul3A_105 = arith.constant 3 : i32
        %mul3A_106 = arith.muli %mul3A_105, %scan3A_95 : i32
        %add3A_107 = arith.constant 1 : i32
        %add3A_108 = arith.addi %mul3A_106, %add3A_107 : i32
        %lt3A_109 = arith.constant 24 : i32
        %lt3A_110 = arith.cmpi slt, %add3A_108, %lt3A_109 : i32
        %convert_element_type3A_111 = arith.extui %lt3A_110 : i1 to i32
        %cond3A_112 = arith.constant 0 : i32
        %cond3A_113 = arith.cmpi ne, %convert_element_type3A_111, %cond3A_112 : i32
        scf.if %cond3A_113 {
          %ge3A_123 = arith.constant 1 : i32
          %ge3A_124 = arith.cmpi sge, %add3A_108, %ge3A_123 : i32
          %convert_element_type3A_125 = arith.extui %ge3A_124 : i1 to i32
          %cond3A_126 = arith.constant 0 : i32
          %cond3A_127 = arith.cmpi ne, %convert_element_type3A_125, %cond3A_126 : i32
          scf.if %cond3A_127 {
            %sub3A_152 = arith.constant 1 : i32
            %sub3A_153 = arith.subi %add3A_108, %sub3A_152 : i32
            %mul3A_154 = arith.constant 128 : i32
            %mul3A_155 = arith.muli %sub3A_153, %mul3A_154 : i32
            %dma_wait3A_156 = tpu.memref_slice %arg10[%mul3A_155] : memref<3200xi32, #tpu.memory_space<vmem>> -> memref<128xi32, #tpu.memory_space<vmem>>
            %dma_wait3A_157 = arith.constant 0 : i32
            %dma_wait3A_158 = arith.constant 0 : i32
            %dma_wait3A_159 = tpu.memref_slice %arg15[%dma_wait3A_157, %dma_wait3A_158] : memref<512x128xf32, #tpu.memory_space<vmem_shared>> -> memref<512x128xf32, #tpu.memory_space<vmem_shared>>
            tpu.wait_indirect_dma semaphore(%arg19 : memref<!tpu.dma_semaphore, #tpu.memory_space<semaphore_mem>>) src(%dma_wait3A_159 : memref<512x128xf32, #tpu.memory_space<vmem_shared>>) dst(%arg11 : memref<128x128xf32, #tpu.memory_space<vmem>>)
            %sub3A_160 = arith.constant 1 : i32
            %sub3A_161 = arith.subi %add3A_108, %sub3A_160 : i32
            %add3A_162 = arith.addi %add3A_39, %sub3A_161 : i32
            %lt3A_163 = arith.constant 781 : i32
            %lt3A_164 = arith.cmpi slt, %add3A_162, %lt3A_163 : i32
            %convert_element_type3A_165 = arith.extui %lt3A_164 : i1 to i32
            %cond3A_166 = arith.constant 0 : i32
            %cond3A_167 = arith.cmpi ne, %convert_element_type3A_165, %cond3A_166 : i32
            scf.if %cond3A_167 {
              %mul3A_173 = arith.constant 128 : i32
              %mul3A_174 = arith.muli %add3A_162, %mul3A_173 : i32
              %dma_start3A_175 = arith.constant 0 : i32
              %dma_start3A_176 = tpu.memref_slice %arg8[%mul3A_174, %dma_start3A_175] : memref<100000x128xf32, #tpu.memory_space<hbm>> -> memref<128x128xf32, #tpu.memory_space<hbm>>
              %dma_start3A_177 = arith.constant 0 : i32
              %dma_start3A_178 = tpu.memref_slice %arg8[%mul3A_174, %dma_start3A_177] : memref<100000x128xf32, #tpu.memory_space<hbm>> -> memref<128x128xf32, #tpu.memory_space<hbm>>
              tpu.enqueue_dma source(%arg11 : memref<128x128xf32, #tpu.memory_space<vmem>>) target(%dma_start3A_178 : memref<128x128xf32, #tpu.memory_space<hbm>>) target_semaphore(%arg22 : memref<!tpu.dma_semaphore, #tpu.memory_space<semaphore_mem>>)
            } else {
            }
            %eq3A_168 = arith.constant 781 : i32
            %eq3A_169 = arith.cmpi eq, %add3A_162, %eq3A_168 : i32
            %convert_element_type3A_170 = arith.extui %eq3A_169 : i1 to i32
            %cond3A_171 = arith.constant 0 : i32
            %cond3A_172 = arith.cmpi ne, %convert_element_type3A_170, %cond3A_171 : i32
            scf.if %cond3A_172 {
              %mul3A_173 = arith.constant 128 : i32
              %mul3A_174 = arith.muli %add3A_162, %mul3A_173 : i32
              %dma_start3A_175 = arith.constant 0 : i32
              %dma_start3A_176 = arith.constant 0 : i32
              %dma_start3A_177 = tpu.memref_slice %arg11[%dma_start3A_175, %dma_start3A_176] : memref<128x128xf32, #tpu.memory_space<vmem>> -> memref<32x128xf32, #tpu.memory_space<vmem>>
              %dma_start3A_178 = arith.constant 0 : i32
              %dma_start3A_179 = tpu.memref_slice %arg8[%mul3A_174, %dma_start3A_178] : memref<100000x128xf32, #tpu.memory_space<hbm>> -> memref<32x128xf32, #tpu.memory_space<hbm>>
              %dma_start3A_180 = arith.constant 0 : i32
              %dma_start3A_181 = tpu.memref_slice %arg8[%mul3A_174, %dma_start3A_180] : memref<100000x128xf32, #tpu.memory_space<hbm>> -> memref<32x128xf32, #tpu.memory_space<hbm>>
              %dma_start3A_182 = arith.constant 0 : i32
              %dma_start3A_183 = arith.constant 0 : i32
              %dma_start3A_184 = tpu.memref_slice %arg11[%dma_start3A_182, %dma_start3A_183] : memref<128x128xf32, #tpu.memory_space<vmem>> -> memref<32x128xf32, #tpu.memory_space<vmem>>
              tpu.enqueue_dma source(%dma_start3A_184 : memref<32x128xf32, #tpu.memory_space<vmem>>) target(%dma_start3A_181 : memref<32x128xf32, #tpu.memory_space<hbm>>) target_semaphore(%arg22 : memref<!tpu.dma_semaphore, #tpu.memory_space<semaphore_mem>>)
            } else {
            }
          } else {
          }
          %ge3A_128 = arith.constant 2 : i32
          %ge3A_129 = arith.cmpi sge, %add3A_108, %ge3A_128 : i32
          %convert_element_type3A_130 = arith.extui %ge3A_129 : i1 to i32
          %cond3A_131 = arith.constant 0 : i32
          %cond3A_132 = arith.cmpi ne, %convert_element_type3A_130, %cond3A_131 : i32
          scf.if %cond3A_132 {
            %sub3A_152 = arith.constant 2 : i32
            %sub3A_153 = arith.subi %add3A_108, %sub3A_152 : i32
            %add3A_154 = arith.addi %add3A_39, %sub3A_153 : i32
            %lt3A_155 = arith.constant 781 : i32
            %lt3A_156 = arith.cmpi slt, %add3A_154, %lt3A_155 : i32
            %convert_element_type3A_157 = arith.extui %lt3A_156 : i1 to i32
            %cond3A_158 = arith.constant 0 : i32
            %cond3A_159 = arith.cmpi ne, %convert_element_type3A_157, %cond3A_158 : i32
            scf.if %cond3A_159 {
              %mul3A_165 = arith.constant 128 : i32
              %mul3A_166 = arith.muli %add3A_154, %mul3A_165 : i32
              %dma_wait3A_167 = arith.constant 0 : i32
              %dma_wait3A_168 = tpu.memref_slice %arg8[%mul3A_166, %dma_wait3A_167] : memref<100000x128xf32, #tpu.memory_space<hbm>> -> memref<128x128xf32, #tpu.memory_space<hbm>>
              %dma_wait3A_169 = arith.constant 0 : i32
              %dma_wait3A_170 = tpu.memref_slice %arg8[%mul3A_166, %dma_wait3A_169] : memref<100000x128xf32, #tpu.memory_space<hbm>> -> memref<128x128xf32, #tpu.memory_space<hbm>>
              tpu.wait_dma2 semaphore(%arg24 : memref<!tpu.dma_semaphore, #tpu.memory_space<semaphore_mem>>) src(%arg13 : memref<128x128xf32, #tpu.memory_space<vmem>>) dst(%dma_wait3A_170 : memref<128x128xf32, #tpu.memory_space<hbm>>)
            } else {
            }
            %eq3A_160 = arith.constant 781 : i32
            %eq3A_161 = arith.cmpi eq, %add3A_154, %eq3A_160 : i32
            %convert_element_type3A_162 = arith.extui %eq3A_161 : i1 to i32
            %cond3A_163 = arith.constant 0 : i32
            %cond3A_164 = arith.cmpi ne, %convert_element_type3A_162, %cond3A_163 : i32
            scf.if %cond3A_164 {
              %mul3A_165 = arith.constant 128 : i32
              %mul3A_166 = arith.muli %add3A_154, %mul3A_165 : i32
              %dma_wait3A_167 = arith.constant 0 : i32
              %dma_wait3A_168 = arith.constant 0 : i32
              %dma_wait3A_169 = tpu.memref_slice %arg13[%dma_wait3A_167, %dma_wait3A_168] : memref<128x128xf32, #tpu.memory_space<vmem>> -> memref<32x128xf32, #tpu.memory_space<vmem>>
              %dma_wait3A_170 = arith.constant 0 : i32
              %dma_wait3A_171 = tpu.memref_slice %arg8[%mul3A_166, %dma_wait3A_170] : memref<100000x128xf32, #tpu.memory_space<hbm>> -> memref<32x128xf32, #tpu.memory_space<hbm>>
              %dma_wait3A_172 = arith.constant 0 : i32
              %dma_wait3A_173 = tpu.memref_slice %arg8[%mul3A_166, %dma_wait3A_172] : memref<100000x128xf32, #tpu.memory_space<hbm>> -> memref<32x128xf32, #tpu.memory_space<hbm>>
              %dma_wait3A_174 = arith.constant 0 : i32
              %dma_wait3A_175 = arith.constant 0 : i32
              %dma_wait3A_176 = tpu.memref_slice %arg13[%dma_wait3A_174, %dma_wait3A_175] : memref<128x128xf32, #tpu.memory_space<vmem>> -> memref<32x128xf32, #tpu.memory_space<vmem>>
              tpu.wait_dma2 semaphore(%arg24 : memref<!tpu.dma_semaphore, #tpu.memory_space<semaphore_mem>>) src(%dma_wait3A_176 : memref<32x128xf32, #tpu.memory_space<vmem>>) dst(%dma_wait3A_173 : memref<32x128xf32, #tpu.memory_space<hbm>>)
            } else {
            }
          } else {
          }
          %mul3A_133 = arith.constant 128 : i32
          %mul3A_134 = arith.muli %add3A_108, %mul3A_133 : i32
          %dma_wait3A_135 = tpu.memref_slice %arg9[%mul3A_134] : memref<3200xi32, #tpu.memory_space<vmem>> -> memref<128xi32, #tpu.memory_space<vmem>>
          %dma_wait3A_136 = arith.constant 0 : i32
          %dma_wait3A_137 = arith.constant 0 : i32
          %dma_wait3A_138 = tpu.memref_slice %arg14[%dma_wait3A_136, %dma_wait3A_137] : memref<512x128xf32, #tpu.memory_space<vmem_shared>> -> memref<512x128xf32, #tpu.memory_space<vmem_shared>>
          tpu.wait_indirect_dma semaphore(%arg17 : memref<!tpu.dma_semaphore, #tpu.memory_space<semaphore_mem>>) src(%dma_wait3A_138 : memref<512x128xf32, #tpu.memory_space<vmem_shared>>) dst(%arg12 : memref<128x128xf32, #tpu.memory_space<vmem>>)
          %mul3A_139 = arith.constant 128 : i32
          %mul3A_140 = arith.muli %add3A_108, %mul3A_139 : i32
          %dma_start3A_141 = tpu.memref_slice %arg10[%mul3A_140] : memref<3200xi32, #tpu.memory_space<vmem>> -> memref<128xi32, #tpu.memory_space<vmem>>
          %dma_start3A_142 = arith.constant 0 : i32
          %dma_start3A_143 = arith.constant 0 : i32
          %dma_start3A_144 = tpu.memref_slice %arg15[%dma_start3A_142, %dma_start3A_143] : memref<512x128xf32, #tpu.memory_space<vmem_shared>> -> memref<512x128xf32, #tpu.memory_space<vmem_shared>>
          tpu.enqueue_indirect_dma source(%dma_start3A_144 : memref<512x128xf32, #tpu.memory_space<vmem_shared>>) target(%arg12 : memref<128x128xf32, #tpu.memory_space<vmem>>) offsets(%dma_start3A_141 : memref<128xi32, #tpu.memory_space<vmem>>) semaphore(%arg20 : memref<!tpu.dma_semaphore, #tpu.memory_space<semaphore_mem>>)
          %add3A_145 = arith.constant 1 : i32
          %add3A_146 = arith.addi %add3A_108, %add3A_145 : i32
          %lt3A_147 = arith.constant 24 : i32
          %lt3A_148 = arith.cmpi slt, %add3A_146, %lt3A_147 : i32
          %convert_element_type3A_149 = arith.extui %lt3A_148 : i1 to i32
          %cond3A_150 = arith.constant 0 : i32
          %cond3A_151 = arith.cmpi ne, %convert_element_type3A_149, %cond3A_150 : i32
          scf.if %cond3A_151 {
            %add3A_152 = arith.constant 1 : i32
            %add3A_153 = arith.addi %add3A_108, %add3A_152 : i32
            %mul3A_154 = arith.constant 128 : i32
            %mul3A_155 = arith.muli %add3A_153, %mul3A_154 : i32
            %dma_start3A_156 = tpu.memref_slice %arg9[%mul3A_155] : memref<3200xi32, #tpu.memory_space<vmem>> -> memref<128xi32, #tpu.memory_space<vmem>>
            %dma_start3A_157 = arith.constant 0 : i32
            %dma_start3A_158 = arith.constant 0 : i32
            %dma_start3A_159 = tpu.memref_slice %arg14[%dma_start3A_157, %dma_start3A_158] : memref<512x128xf32, #tpu.memory_space<vmem_shared>> -> memref<512x128xf32, #tpu.memory_space<vmem_shared>>
            tpu.enqueue_indirect_dma source(%dma_start3A_159 : memref<512x128xf32, #tpu.memory_space<vmem_shared>>) target(%arg13 : memref<128x128xf32, #tpu.memory_space<vmem>>) offsets(%dma_start3A_156 : memref<128xi32, #tpu.memory_space<vmem>>) semaphore(%arg18 : memref<!tpu.dma_semaphore, #tpu.memory_space<semaphore_mem>>)
          } else {
          }
        } else {
        }
        %mul3A_114 = arith.constant 3 : i32
        %mul3A_115 = arith.muli %mul3A_114, %scan3A_95 : i32
        %add3A_116 = arith.constant 2 : i32
        %add3A_117 = arith.addi %mul3A_115, %add3A_116 : i32
        %lt3A_118 = arith.constant 24 : i32
        %lt3A_119 = arith.cmpi slt, %add3A_117, %lt3A_118 : i32
        %convert_element_type3A_120 = arith.extui %lt3A_119 : i1 to i32
        %cond3A_121 = arith.constant 0 : i32
        %cond3A_122 = arith.cmpi ne, %convert_element_type3A_120, %cond3A_121 : i32
        scf.if %cond3A_122 {
          %ge3A_123 = arith.constant 1 : i32
          %ge3A_124 = arith.cmpi sge, %add3A_117, %ge3A_123 : i32
          %convert_element_type3A_125 = arith.extui %ge3A_124 : i1 to i32
          %cond3A_126 = arith.constant 0 : i32
          %cond3A_127 = arith.cmpi ne, %convert_element_type3A_125, %cond3A_126 : i32
          scf.if %cond3A_127 {
            %sub3A_152 = arith.constant 1 : i32
            %sub3A_153 = arith.subi %add3A_117, %sub3A_152 : i32
            %mul3A_154 = arith.constant 128 : i32
            %mul3A_155 = arith.muli %sub3A_153, %mul3A_154 : i32
            %dma_wait3A_156 = tpu.memref_slice %arg10[%mul3A_155] : memref<3200xi32, #tpu.memory_space<vmem>> -> memref<128xi32, #tpu.memory_space<vmem>>
            %dma_wait3A_157 = arith.constant 0 : i32
            %dma_wait3A_158 = arith.constant 0 : i32
            %dma_wait3A_159 = tpu.memref_slice %arg15[%dma_wait3A_157, %dma_wait3A_158] : memref<512x128xf32, #tpu.memory_space<vmem_shared>> -> memref<512x128xf32, #tpu.memory_space<vmem_shared>>
            tpu.wait_indirect_dma semaphore(%arg20 : memref<!tpu.dma_semaphore, #tpu.memory_space<semaphore_mem>>) src(%dma_wait3A_159 : memref<512x128xf32, #tpu.memory_space<vmem_shared>>) dst(%arg12 : memref<128x128xf32, #tpu.memory_space<vmem>>)
            %sub3A_160 = arith.constant 1 : i32
            %sub3A_161 = arith.subi %add3A_117, %sub3A_160 : i32
            %add3A_162 = arith.addi %add3A_39, %sub3A_161 : i32
            %lt3A_163 = arith.constant 781 : i32
            %lt3A_164 = arith.cmpi slt, %add3A_162, %lt3A_163 : i32
            %convert_element_type3A_165 = arith.extui %lt3A_164 : i1 to i32
            %cond3A_166 = arith.constant 0 : i32
            %cond3A_167 = arith.cmpi ne, %convert_element_type3A_165, %cond3A_166 : i32
            scf.if %cond3A_167 {
              %mul3A_173 = arith.constant 128 : i32
              %mul3A_174 = arith.muli %add3A_162, %mul3A_173 : i32
              %dma_start3A_175 = arith.constant 0 : i32
              %dma_start3A_176 = tpu.memref_slice %arg8[%mul3A_174, %dma_start3A_175] : memref<100000x128xf32, #tpu.memory_space<hbm>> -> memref<128x128xf32, #tpu.memory_space<hbm>>
              %dma_start3A_177 = arith.constant 0 : i32
              %dma_start3A_178 = tpu.memref_slice %arg8[%mul3A_174, %dma_start3A_177] : memref<100000x128xf32, #tpu.memory_space<hbm>> -> memref<128x128xf32, #tpu.memory_space<hbm>>
              tpu.enqueue_dma source(%arg12 : memref<128x128xf32, #tpu.memory_space<vmem>>) target(%dma_start3A_178 : memref<128x128xf32, #tpu.memory_space<hbm>>) target_semaphore(%arg23 : memref<!tpu.dma_semaphore, #tpu.memory_space<semaphore_mem>>)
            } else {
            }
            %eq3A_168 = arith.constant 781 : i32
            %eq3A_169 = arith.cmpi eq, %add3A_162, %eq3A_168 : i32
            %convert_element_type3A_170 = arith.extui %eq3A_169 : i1 to i32
            %cond3A_171 = arith.constant 0 : i32
            %cond3A_172 = arith.cmpi ne, %convert_element_type3A_170, %cond3A_171 : i32
            scf.if %cond3A_172 {
              %mul3A_173 = arith.constant 128 : i32
              %mul3A_174 = arith.muli %add3A_162, %mul3A_173 : i32
              %dma_start3A_175 = arith.constant 0 : i32
              %dma_start3A_176 = arith.constant 0 : i32
              %dma_start3A_177 = tpu.memref_slice %arg12[%dma_start3A_175, %dma_start3A_176] : memref<128x128xf32, #tpu.memory_space<vmem>> -> memref<32x128xf32, #tpu.memory_space<vmem>>
              %dma_start3A_178 = arith.constant 0 : i32
              %dma_start3A_179 = tpu.memref_slice %arg8[%mul3A_174, %dma_start3A_178] : memref<100000x128xf32, #tpu.memory_space<hbm>> -> memref<32x128xf32, #tpu.memory_space<hbm>>
              %dma_start3A_180 = arith.constant 0 : i32
              %dma_start3A_181 = tpu.memref_slice %arg8[%mul3A_174, %dma_start3A_180] : memref<100000x128xf32, #tpu.memory_space<hbm>> -> memref<32x128xf32, #tpu.memory_space<hbm>>
              %dma_start3A_182 = arith.constant 0 : i32
              %dma_start3A_183 = arith.constant 0 : i32
              %dma_start3A_184 = tpu.memref_slice %arg12[%dma_start3A_182, %dma_start3A_183] : memref<128x128xf32, #tpu.memory_space<vmem>> -> memref<32x128xf32, #tpu.memory_space<vmem>>
              tpu.enqueue_dma source(%dma_start3A_184 : memref<32x128xf32, #tpu.memory_space<vmem>>) target(%dma_start3A_181 : memref<32x128xf32, #tpu.memory_space<hbm>>) target_semaphore(%arg23 : memref<!tpu.dma_semaphore, #tpu.memory_space<semaphore_mem>>)
            } else {
            }
          } else {
          }
          %ge3A_128 = arith.constant 2 : i32
          %ge3A_129 = arith.cmpi sge, %add3A_117, %ge3A_128 : i32
          %convert_element_type3A_130 = arith.extui %ge3A_129 : i1 to i32
          %cond3A_131 = arith.constant 0 : i32
          %cond3A_132 = arith.cmpi ne, %convert_element_type3A_130, %cond3A_131 : i32
          scf.if %cond3A_132 {
            %sub3A_152 = arith.constant 2 : i32
            %sub3A_153 = arith.subi %add3A_117, %sub3A_152 : i32
            %add3A_154 = arith.addi %add3A_39, %sub3A_153 : i32
            %lt3A_155 = arith.constant 781 : i32
            %lt3A_156 = arith.cmpi slt, %add3A_154, %lt3A_155 : i32
            %convert_element_type3A_157 = arith.extui %lt3A_156 : i1 to i32
            %cond3A_158 = arith.constant 0 : i32
            %cond3A_159 = arith.cmpi ne, %convert_element_type3A_157, %cond3A_158 : i32
            scf.if %cond3A_159 {
              %mul3A_165 = arith.constant 128 : i32
              %mul3A_166 = arith.muli %add3A_154, %mul3A_165 : i32
              %dma_wait3A_167 = arith.constant 0 : i32
              %dma_wait3A_168 = tpu.memref_slice %arg8[%mul3A_166, %dma_wait3A_167] : memref<100000x128xf32, #tpu.memory_space<hbm>> -> memref<128x128xf32, #tpu.memory_space<hbm>>
              %dma_wait3A_169 = arith.constant 0 : i32
              %dma_wait3A_170 = tpu.memref_slice %arg8[%mul3A_166, %dma_wait3A_169] : memref<100000x128xf32, #tpu.memory_space<hbm>> -> memref<128x128xf32, #tpu.memory_space<hbm>>
              tpu.wait_dma2 semaphore(%arg22 : memref<!tpu.dma_semaphore, #tpu.memory_space<semaphore_mem>>) src(%arg11 : memref<128x128xf32, #tpu.memory_space<vmem>>) dst(%dma_wait3A_170 : memref<128x128xf32, #tpu.memory_space<hbm>>)
            } else {
            }
            %eq3A_160 = arith.constant 781 : i32
            %eq3A_161 = arith.cmpi eq, %add3A_154, %eq3A_160 : i32
            %convert_element_type3A_162 = arith.extui %eq3A_161 : i1 to i32
            %cond3A_163 = arith.constant 0 : i32
            %cond3A_164 = arith.cmpi ne, %convert_element_type3A_162, %cond3A_163 : i32
            scf.if %cond3A_164 {
              %mul3A_165 = arith.constant 128 : i32
              %mul3A_166 = arith.muli %add3A_154, %mul3A_165 : i32
              %dma_wait3A_167 = arith.constant 0 : i32
              %dma_wait3A_168 = arith.constant 0 : i32
              %dma_wait3A_169 = tpu.memref_slice %arg11[%dma_wait3A_167, %dma_wait3A_168] : memref<128x128xf32, #tpu.memory_space<vmem>> -> memref<32x128xf32, #tpu.memory_space<vmem>>
              %dma_wait3A_170 = arith.constant 0 : i32
              %dma_wait3A_171 = tpu.memref_slice %arg8[%mul3A_166, %dma_wait3A_170] : memref<100000x128xf32, #tpu.memory_space<hbm>> -> memref<32x128xf32, #tpu.memory_space<hbm>>
              %dma_wait3A_172 = arith.constant 0 : i32
              %dma_wait3A_173 = tpu.memref_slice %arg8[%mul3A_166, %dma_wait3A_172] : memref<100000x128xf32, #tpu.memory_space<hbm>> -> memref<32x128xf32, #tpu.memory_space<hbm>>
              %dma_wait3A_174 = arith.constant 0 : i32
              %dma_wait3A_175 = arith.constant 0 : i32
              %dma_wait3A_176 = tpu.memref_slice %arg11[%dma_wait3A_174, %dma_wait3A_175] : memref<128x128xf32, #tpu.memory_space<vmem>> -> memref<32x128xf32, #tpu.memory_space<vmem>>
              tpu.wait_dma2 semaphore(%arg22 : memref<!tpu.dma_semaphore, #tpu.memory_space<semaphore_mem>>) src(%dma_wait3A_176 : memref<32x128xf32, #tpu.memory_space<vmem>>) dst(%dma_wait3A_173 : memref<32x128xf32, #tpu.memory_space<hbm>>)
            } else {
            }
          } else {
          }
          %mul3A_133 = arith.constant 128 : i32
          %mul3A_134 = arith.muli %add3A_117, %mul3A_133 : i32
          %dma_wait3A_135 = tpu.memref_slice %arg9[%mul3A_134] : memref<3200xi32, #tpu.memory_space<vmem>> -> memref<128xi32, #tpu.memory_space<vmem>>
          %dma_wait3A_136 = arith.constant 0 : i32
          %dma_wait3A_137 = arith.constant 0 : i32
          %dma_wait3A_138 = tpu.memref_slice %arg14[%dma_wait3A_136, %dma_wait3A_137] : memref<512x128xf32, #tpu.memory_space<vmem_shared>> -> memref<512x128xf32, #tpu.memory_space<vmem_shared>>
          tpu.wait_indirect_dma semaphore(%arg18 : memref<!tpu.dma_semaphore, #tpu.memory_space<semaphore_mem>>) src(%dma_wait3A_138 : memref<512x128xf32, #tpu.memory_space<vmem_shared>>) dst(%arg13 : memref<128x128xf32, #tpu.memory_space<vmem>>)
          %mul3A_139 = arith.constant 128 : i32
          %mul3A_140 = arith.muli %add3A_117, %mul3A_139 : i32
          %dma_start3A_141 = tpu.memref_slice %arg10[%mul3A_140] : memref<3200xi32, #tpu.memory_space<vmem>> -> memref<128xi32, #tpu.memory_space<vmem>>
          %dma_start3A_142 = arith.constant 0 : i32
          %dma_start3A_143 = arith.constant 0 : i32
          %dma_start3A_144 = tpu.memref_slice %arg15[%dma_start3A_142, %dma_start3A_143] : memref<512x128xf32, #tpu.memory_space<vmem_shared>> -> memref<512x128xf32, #tpu.memory_space<vmem_shared>>
          tpu.enqueue_indirect_dma source(%dma_start3A_144 : memref<512x128xf32, #tpu.memory_space<vmem_shared>>) target(%arg13 : memref<128x128xf32, #tpu.memory_space<vmem>>) offsets(%dma_start3A_141 : memref<128xi32, #tpu.memory_space<vmem>>) semaphore(%arg21 : memref<!tpu.dma_semaphore, #tpu.memory_space<semaphore_mem>>)
          %add3A_145 = arith.constant 1 : i32
          %add3A_146 = arith.addi %add3A_117, %add3A_145 : i32
          %lt3A_147 = arith.constant 24 : i32
          %lt3A_148 = arith.cmpi slt, %add3A_146, %lt3A_147 : i32
          %convert_element_type3A_149 = arith.extui %lt3A_148 : i1 to i32
          %cond3A_150 = arith.constant 0 : i32
          %cond3A_151 = arith.cmpi ne, %convert_element_type3A_149, %cond3A_150 : i32
          scf.if %cond3A_151 {
            %add3A_152 = arith.constant 1 : i32
            %add3A_153 = arith.addi %add3A_117, %add3A_152 : i32
            %mul3A_154 = arith.constant 128 : i32
            %mul3A_155 = arith.muli %add3A_153, %mul3A_154 : i32
            %dma_start3A_156 = tpu.memref_slice %arg9[%mul3A_155] : memref<3200xi32, #tpu.memory_space<vmem>> -> memref<128xi32, #tpu.memory_space<vmem>>
            %dma_start3A_157 = arith.constant 0 : i32
            %dma_start3A_158 = arith.constant 0 : i32
            %dma_start3A_159 = tpu.memref_slice %arg14[%dma_start3A_157, %dma_start3A_158] : memref<512x128xf32, #tpu.memory_space<vmem_shared>> -> memref<512x128xf32, #tpu.memory_space<vmem_shared>>
            tpu.enqueue_indirect_dma source(%dma_start3A_159 : memref<512x128xf32, #tpu.memory_space<vmem_shared>>) target(%arg11 : memref<128x128xf32, #tpu.memory_space<vmem>>) offsets(%dma_start3A_156 : memref<128xi32, #tpu.memory_space<vmem>>) semaphore(%arg16 : memref<!tpu.dma_semaphore, #tpu.memory_space<semaphore_mem>>)
          } else {
          }
        } else {
        }
      }
      %scan3A_53 = arith.constant 8 : i32
      %dma_wait3A_54 = arith.constant 2944 : i32
      %dma_wait3A_55 = tpu.memref_slice %arg10[%dma_wait3A_54] : memref<3200xi32, #tpu.memory_space<vmem>> -> memref<128xi32, #tpu.memory_space<vmem>>
      %dma_wait3A_56 = arith.constant 0 : i32
      %dma_wait3A_57 = arith.constant 0 : i32
      %dma_wait3A_58 = tpu.memref_slice %arg15[%dma_wait3A_56, %dma_wait3A_57] : memref<512x128xf32, #tpu.memory_space<vmem_shared>> -> memref<512x128xf32, #tpu.memory_space<vmem_shared>>
      tpu.wait_indirect_dma semaphore(%arg21 : memref<!tpu.dma_semaphore, #tpu.memory_space<semaphore_mem>>) src(%dma_wait3A_58 : memref<512x128xf32, #tpu.memory_space<vmem_shared>>) dst(%arg13 : memref<128x128xf32, #tpu.memory_space<vmem>>)
      %add3A_59 = arith.constant 23 : i32
      %add3A_60 = arith.addi %add3A_39, %add3A_59 : i32
      %lt3A_61 = arith.constant 781 : i32
      %lt3A_62 = arith.cmpi slt, %add3A_60, %lt3A_61 : i32
      %convert_element_type3A_63 = arith.extui %lt3A_62 : i1 to i32
      %cond3A_64 = arith.constant 0 : i32
      %cond3A_65 = arith.cmpi ne, %convert_element_type3A_63, %cond3A_64 : i32
      scf.if %cond3A_65 {
        %mul3A_95 = arith.constant 128 : i32
        %mul3A_96 = arith.muli %add3A_60, %mul3A_95 : i32
        %dma_start3A_97 = arith.constant 0 : i32
        %dma_start3A_98 = tpu.memref_slice %arg8[%mul3A_96, %dma_start3A_97] : memref<100000x128xf32, #tpu.memory_space<hbm>> -> memref<128x128xf32, #tpu.memory_space<hbm>>
        %dma_start3A_99 = arith.constant 0 : i32
        %dma_start3A_100 = tpu.memref_slice %arg8[%mul3A_96, %dma_start3A_99] : memref<100000x128xf32, #tpu.memory_space<hbm>> -> memref<128x128xf32, #tpu.memory_space<hbm>>
        tpu.enqueue_dma source(%arg13 : memref<128x128xf32, #tpu.memory_space<vmem>>) target(%dma_start3A_100 : memref<128x128xf32, #tpu.memory_space<hbm>>) target_semaphore(%arg24 : memref<!tpu.dma_semaphore, #tpu.memory_space<semaphore_mem>>)
      } else {
      }
      %eq3A_66 = arith.constant 781 : i32
      %eq3A_67 = arith.cmpi eq, %add3A_60, %eq3A_66 : i32
      %convert_element_type3A_68 = arith.extui %eq3A_67 : i1 to i32
      %cond3A_69 = arith.constant 0 : i32
      %cond3A_70 = arith.cmpi ne, %convert_element_type3A_68, %cond3A_69 : i32
      scf.if %cond3A_70 {
        %mul3A_95 = arith.constant 128 : i32
        %mul3A_96 = arith.muli %add3A_60, %mul3A_95 : i32
        %dma_start3A_97 = arith.constant 0 : i32
        %dma_start3A_98 = arith.constant 0 : i32
        %dma_start3A_99 = tpu.memref_slice %arg13[%dma_start3A_97, %dma_start3A_98] : memref<128x128xf32, #tpu.memory_space<vmem>> -> memref<32x128xf32, #tpu.memory_space<vmem>>
        %dma_start3A_100 = arith.constant 0 : i32
        %dma_start3A_101 = tpu.memref_slice %arg8[%mul3A_96, %dma_start3A_100] : memref<100000x128xf32, #tpu.memory_space<hbm>> -> memref<32x128xf32, #tpu.memory_space<hbm>>
        %dma_start3A_102 = arith.constant 0 : i32
        %dma_start3A_103 = tpu.memref_slice %arg8[%mul3A_96, %dma_start3A_102] : memref<100000x128xf32, #tpu.memory_space<hbm>> -> memref<32x128xf32, #tpu.memory_space<hbm>>
        %dma_start3A_104 = arith.constant 0 : i32
        %dma_start3A_105 = arith.constant 0 : i32
        %dma_start3A_106 = tpu.memref_slice %arg13[%dma_start3A_104, %dma_start3A_105] : memref<128x128xf32, #tpu.memory_space<vmem>> -> memref<32x128xf32, #tpu.memory_space<vmem>>
        tpu.enqueue_dma source(%dma_start3A_106 : memref<32x128xf32, #tpu.memory_space<vmem>>) target(%dma_start3A_103 : memref<32x128xf32, #tpu.memory_space<hbm>>) target_semaphore(%arg24 : memref<!tpu.dma_semaphore, #tpu.memory_space<semaphore_mem>>)
      } else {
      }
      %add3A_71 = arith.constant 22 : i32
      %add3A_72 = arith.addi %add3A_39, %add3A_71 : i32
      %lt3A_73 = arith.constant 781 : i32
      %lt3A_74 = arith.cmpi slt, %add3A_72, %lt3A_73 : i32
      %convert_element_type3A_75 = arith.extui %lt3A_74 : i1 to i32
      %cond3A_76 = arith.constant 0 : i32
      %cond3A_77 = arith.cmpi ne, %convert_element_type3A_75, %cond3A_76 : i32
      scf.if %cond3A_77 {
        %mul3A_95 = arith.constant 128 : i32
        %mul3A_96 = arith.muli %add3A_72, %mul3A_95 : i32
        %dma_wait3A_97 = arith.constant 0 : i32
        %dma_wait3A_98 = tpu.memref_slice %arg8[%mul3A_96, %dma_wait3A_97] : memref<100000x128xf32, #tpu.memory_space<hbm>> -> memref<128x128xf32, #tpu.memory_space<hbm>>
        %dma_wait3A_99 = arith.constant 0 : i32
        %dma_wait3A_100 = tpu.memref_slice %arg8[%mul3A_96, %dma_wait3A_99] : memref<100000x128xf32, #tpu.memory_space<hbm>> -> memref<128x128xf32, #tpu.memory_space<hbm>>
        tpu.wait_dma2 semaphore(%arg23 : memref<!tpu.dma_semaphore, #tpu.memory_space<semaphore_mem>>) src(%arg12 : memref<128x128xf32, #tpu.memory_space<vmem>>) dst(%dma_wait3A_100 : memref<128x128xf32, #tpu.memory_space<hbm>>)
      } else {
      }
      %eq3A_78 = arith.constant 781 : i32
      %eq3A_79 = arith.cmpi eq, %add3A_72, %eq3A_78 : i32
      %convert_element_type3A_80 = arith.extui %eq3A_79 : i1 to i32
      %cond3A_81 = arith.constant 0 : i32
      %cond3A_82 = arith.cmpi ne, %convert_element_type3A_80, %cond3A_81 : i32
      scf.if %cond3A_82 {
        %mul3A_95 = arith.constant 128 : i32
        %mul3A_96 = arith.muli %add3A_72, %mul3A_95 : i32
        %dma_wait3A_97 = arith.constant 0 : i32
        %dma_wait3A_98 = arith.constant 0 : i32
        %dma_wait3A_99 = tpu.memref_slice %arg12[%dma_wait3A_97, %dma_wait3A_98] : memref<128x128xf32, #tpu.memory_space<vmem>> -> memref<32x128xf32, #tpu.memory_space<vmem>>
        %dma_wait3A_100 = arith.constant 0 : i32
        %dma_wait3A_101 = tpu.memref_slice %arg8[%mul3A_96, %dma_wait3A_100] : memref<100000x128xf32, #tpu.memory_space<hbm>> -> memref<32x128xf32, #tpu.memory_space<hbm>>
        %dma_wait3A_102 = arith.constant 0 : i32
        %dma_wait3A_103 = tpu.memref_slice %arg8[%mul3A_96, %dma_wait3A_102] : memref<100000x128xf32, #tpu.memory_space<hbm>> -> memref<32x128xf32, #tpu.memory_space<hbm>>
        %dma_wait3A_104 = arith.constant 0 : i32
        %dma_wait3A_105 = arith.constant 0 : i32
        %dma_wait3A_106 = tpu.memref_slice %arg12[%dma_wait3A_104, %dma_wait3A_105] : memref<128x128xf32, #tpu.memory_space<vmem>> -> memref<32x128xf32, #tpu.memory_space<vmem>>
        tpu.wait_dma2 semaphore(%arg23 : memref<!tpu.dma_semaphore, #tpu.memory_space<semaphore_mem>>) src(%dma_wait3A_106 : memref<32x128xf32, #tpu.memory_space<vmem>>) dst(%dma_wait3A_103 : memref<32x128xf32, #tpu.memory_space<hbm>>)
      } else {
      }
      %add3A_83 = arith.constant 23 : i32
      %add3A_84 = arith.addi %add3A_39, %add3A_83 : i32
      %lt3A_85 = arith.constant 781 : i32
      %lt3A_86 = arith.cmpi slt, %add3A_84, %lt3A_85 : i32
      %convert_element_type3A_87 = arith.extui %lt3A_86 : i1 to i32
      %cond3A_88 = arith.constant 0 : i32
      %cond3A_89 = arith.cmpi ne, %convert_element_type3A_87, %cond3A_88 : i32
      scf.if %cond3A_89 {
        %mul3A_95 = arith.constant 128 : i32
        %mul3A_96 = arith.muli %add3A_84, %mul3A_95 : i32
        %dma_wait3A_97 = arith.constant 0 : i32
        %dma_wait3A_98 = tpu.memref_slice %arg8[%mul3A_96, %dma_wait3A_97] : memref<100000x128xf32, #tpu.memory_space<hbm>> -> memref<128x128xf32, #tpu.memory_space<hbm>>
        %dma_wait3A_99 = arith.constant 0 : i32
        %dma_wait3A_100 = tpu.memref_slice %arg8[%mul3A_96, %dma_wait3A_99] : memref<100000x128xf32, #tpu.memory_space<hbm>> -> memref<128x128xf32, #tpu.memory_space<hbm>>
        tpu.wait_dma2 semaphore(%arg24 : memref<!tpu.dma_semaphore, #tpu.memory_space<semaphore_mem>>) src(%arg13 : memref<128x128xf32, #tpu.memory_space<vmem>>) dst(%dma_wait3A_100 : memref<128x128xf32, #tpu.memory_space<hbm>>)
      } else {
      }
      %eq3A_90 = arith.constant 781 : i32
      %eq3A_91 = arith.cmpi eq, %add3A_84, %eq3A_90 : i32
      %convert_element_type3A_92 = arith.extui %eq3A_91 : i1 to i32
      %cond3A_93 = arith.constant 0 : i32
      %cond3A_94 = arith.cmpi ne, %convert_element_type3A_92, %cond3A_93 : i32
      scf.if %cond3A_94 {
        %mul3A_95 = arith.constant 128 : i32
        %mul3A_96 = arith.muli %add3A_84, %mul3A_95 : i32
        %dma_wait3A_97 = arith.constant 0 : i32
        %dma_wait3A_98 = arith.constant 0 : i32
        %dma_wait3A_99 = tpu.memref_slice %arg13[%dma_wait3A_97, %dma_wait3A_98] : memref<128x128xf32, #tpu.memory_space<vmem>> -> memref<32x128xf32, #tpu.memory_space<vmem>>
        %dma_wait3A_100 = arith.constant 0 : i32
        %dma_wait3A_101 = tpu.memref_slice %arg8[%mul3A_96, %dma_wait3A_100] : memref<100000x128xf32, #tpu.memory_space<hbm>> -> memref<32x128xf32, #tpu.memory_space<hbm>>
        %dma_wait3A_102 = arith.constant 0 : i32
        %dma_wait3A_103 = tpu.memref_slice %arg8[%mul3A_96, %dma_wait3A_102] : memref<100000x128xf32, #tpu.memory_space<hbm>> -> memref<32x128xf32, #tpu.memory_space<hbm>>
        %dma_wait3A_104 = arith.constant 0 : i32
        %dma_wait3A_105 = arith.constant 0 : i32
        %dma_wait3A_106 = tpu.memref_slice %arg13[%dma_wait3A_104, %dma_wait3A_105] : memref<128x128xf32, #tpu.memory_space<vmem>> -> memref<32x128xf32, #tpu.memory_space<vmem>>
        tpu.wait_dma2 semaphore(%arg24 : memref<!tpu.dma_semaphore, #tpu.memory_space<semaphore_mem>>) src(%dma_wait3A_106 : memref<32x128xf32, #tpu.memory_space<vmem>>) dst(%dma_wait3A_103 : memref<32x128xf32, #tpu.memory_space<hbm>>)
      } else {
      }
    } else {
    }
    %eq3A = arith.constant 31 : i32
    %eq3A_31 = arith.cmpi eq, %add3A, %eq3A : i32
    %convert_element_type3A_32 = arith.extui %eq3A_31 : i1 to i32
    %cond3A_33 = arith.constant 0 : i32
    %cond3A_34 = arith.cmpi ne, %convert_element_type3A_32, %cond3A_33 : i32
    scf.if %cond3A_34 {
      "tpu.region"() ({
        %run_scoped3A = tpu.sem_alloc : memref<!tpu.dma_semaphore, #tpu.memory_space<semaphore_mem>>
        %dma_start3A_80 = arith.constant 0 : i32
        %dma_start3A_81 = tpu.memref_slice %arg9[%dma_start3A_80] : memref<3200xi32, #tpu.memory_space<vmem>> -> memref<2944xi32, #tpu.memory_space<vmem>>
        %dma_start3A_82 = arith.constant 97024 : i32
        %dma_start3A_83 = tpu.memref_slice %arg2[%dma_start3A_82] : memref<100000xi32, #tpu.memory_space<hbm>> -> memref<2944xi32, #tpu.memory_space<hbm>>
        %dma_start3A_84 = arith.constant 0 : i32
        %dma_start3A_85 = tpu.memref_slice %arg9[%dma_start3A_84] : memref<3200xi32, #tpu.memory_space<vmem>> -> memref<2944xi32, #tpu.memory_space<vmem>>
        %dma_start3A_86 = arith.constant 97024 : i32
        %dma_start3A_87 = tpu.memref_slice %arg2[%dma_start3A_86] : memref<100000xi32, #tpu.memory_space<hbm>> -> memref<2944xi32, #tpu.memory_space<hbm>>
        tpu.enqueue_dma source(%dma_start3A_87 : memref<2944xi32, #tpu.memory_space<hbm>>) target(%dma_start3A_85 : memref<2944xi32, #tpu.memory_space<vmem>>) target_semaphore(%run_scoped3A : memref<!tpu.dma_semaphore, #tpu.memory_space<semaphore_mem>>)
        %dma_wait3A_88 = arith.constant 0 : i32
        %dma_wait3A_89 = tpu.memref_slice %arg9[%dma_wait3A_88] : memref<3200xi32, #tpu.memory_space<vmem>> -> memref<2944xi32, #tpu.memory_space<vmem>>
        %dma_wait3A_90 = arith.constant 97024 : i32
        %dma_wait3A_91 = tpu.memref_slice %arg2[%dma_wait3A_90] : memref<100000xi32, #tpu.memory_space<hbm>> -> memref<2944xi32, #tpu.memory_space<hbm>>
        %dma_wait3A_92 = arith.constant 0 : i32
        %dma_wait3A_93 = tpu.memref_slice %arg9[%dma_wait3A_92] : memref<3200xi32, #tpu.memory_space<vmem>> -> memref<2944xi32, #tpu.memory_space<vmem>>
        %dma_wait3A_94 = arith.constant 97024 : i32
        %dma_wait3A_95 = tpu.memref_slice %arg2[%dma_wait3A_94] : memref<100000xi32, #tpu.memory_space<hbm>> -> memref<2944xi32, #tpu.memory_space<hbm>>
        tpu.wait_dma2 semaphore(%run_scoped3A : memref<!tpu.dma_semaphore, #tpu.memory_space<semaphore_mem>>) src(%dma_wait3A_95 : memref<2944xi32, #tpu.memory_space<hbm>>) dst(%dma_wait3A_93 : memref<2944xi32, #tpu.memory_space<vmem>>)
        tpu.yield
      }) : () -> ()
      "tpu.region"() ({
        %run_scoped3A = tpu.sem_alloc : memref<!tpu.dma_semaphore, #tpu.memory_space<semaphore_mem>>
        %dma_start3A_80 = arith.constant 0 : i32
        %dma_start3A_81 = tpu.memref_slice %arg10[%dma_start3A_80] : memref<3200xi32, #tpu.memory_space<vmem>> -> memref<2944xi32, #tpu.memory_space<vmem>>
        %dma_start3A_82 = arith.constant 97024 : i32
        %dma_start3A_83 = tpu.memref_slice %arg3[%dma_start3A_82] : memref<100000xi32, #tpu.memory_space<hbm>> -> memref<2944xi32, #tpu.memory_space<hbm>>
        %dma_start3A_84 = arith.constant 0 : i32
        %dma_start3A_85 = tpu.memref_slice %arg10[%dma_start3A_84] : memref<3200xi32, #tpu.memory_space<vmem>> -> memref<2944xi32, #tpu.memory_space<vmem>>
        %dma_start3A_86 = arith.constant 97024 : i32
        %dma_start3A_87 = tpu.memref_slice %arg3[%dma_start3A_86] : memref<100000xi32, #tpu.memory_space<hbm>> -> memref<2944xi32, #tpu.memory_space<hbm>>
        tpu.enqueue_dma source(%dma_start3A_87 : memref<2944xi32, #tpu.memory_space<hbm>>) target(%dma_start3A_85 : memref<2944xi32, #tpu.memory_space<vmem>>) target_semaphore(%run_scoped3A : memref<!tpu.dma_semaphore, #tpu.memory_space<semaphore_mem>>)
        %dma_wait3A_88 = arith.constant 0 : i32
        %dma_wait3A_89 = tpu.memref_slice %arg10[%dma_wait3A_88] : memref<3200xi32, #tpu.memory_space<vmem>> -> memref<2944xi32, #tpu.memory_space<vmem>>
        %dma_wait3A_90 = arith.constant 97024 : i32
        %dma_wait3A_91 = tpu.memref_slice %arg3[%dma_wait3A_90] : memref<100000xi32, #tpu.memory_space<hbm>> -> memref<2944xi32, #tpu.memory_space<hbm>>
        %dma_wait3A_92 = arith.constant 0 : i32
        %dma_wait3A_93 = tpu.memref_slice %arg10[%dma_wait3A_92] : memref<3200xi32, #tpu.memory_space<vmem>> -> memref<2944xi32, #tpu.memory_space<vmem>>
        %dma_wait3A_94 = arith.constant 97024 : i32
        %dma_wait3A_95 = tpu.memref_slice %arg3[%dma_wait3A_94] : memref<100000xi32, #tpu.memory_space<hbm>> -> memref<2944xi32, #tpu.memory_space<hbm>>
        tpu.wait_dma2 semaphore(%run_scoped3A : memref<!tpu.dma_semaphore, #tpu.memory_space<semaphore_mem>>) src(%dma_wait3A_95 : memref<2944xi32, #tpu.memory_space<hbm>>) dst(%dma_wait3A_93 : memref<2944xi32, #tpu.memory_space<vmem>>)
        tpu.yield
      }) : () -> ()
      "tpu.region"() ({
        %run_scoped3A = tpu.sem_alloc : memref<!tpu.dma_semaphore, #tpu.memory_space<semaphore_mem>>
        %dma_start3A_80 = arith.constant 2944 : i32
        %dma_start3A_81 = tpu.memref_slice %arg9[%dma_start3A_80] : memref<3200xi32, #tpu.memory_space<vmem>> -> memref<128xi32, #tpu.memory_space<vmem>>
        %dma_start3A_82 = arith.constant 2944 : i32
        %dma_start3A_83 = tpu.memref_slice %arg9[%dma_start3A_82] : memref<3200xi32, #tpu.memory_space<vmem>> -> memref<128xi32, #tpu.memory_space<vmem>>
        tpu.enqueue_dma source(%arg4 : memref<128xi32, #tpu.memory_space<hbm>>) target(%dma_start3A_83 : memref<128xi32, #tpu.memory_space<vmem>>) target_semaphore(%run_scoped3A : memref<!tpu.dma_semaphore, #tpu.memory_space<semaphore_mem>>)
        %dma_wait3A_84 = arith.constant 2944 : i32
        %dma_wait3A_85 = tpu.memref_slice %arg9[%dma_wait3A_84] : memref<3200xi32, #tpu.memory_space<vmem>> -> memref<128xi32, #tpu.memory_space<vmem>>
        %dma_wait3A_86 = arith.constant 2944 : i32
        %dma_wait3A_87 = tpu.memref_slice %arg9[%dma_wait3A_86] : memref<3200xi32, #tpu.memory_space<vmem>> -> memref<128xi32, #tpu.memory_space<vmem>>
        tpu.wait_dma2 semaphore(%run_scoped3A : memref<!tpu.dma_semaphore, #tpu.memory_space<semaphore_mem>>) src(%arg4 : memref<128xi32, #tpu.memory_space<hbm>>) dst(%dma_wait3A_87 : memref<128xi32, #tpu.memory_space<vmem>>)
        tpu.yield
      }) : () -> ()
      "tpu.region"() ({
        %run_scoped3A = tpu.sem_alloc : memref<!tpu.dma_semaphore, #tpu.memory_space<semaphore_mem>>
        %dma_start3A_80 = arith.constant 2944 : i32
        %dma_start3A_81 = tpu.memref_slice %arg10[%dma_start3A_80] : memref<3200xi32, #tpu.memory_space<vmem>> -> memref<128xi32, #tpu.memory_space<vmem>>
        %dma_start3A_82 = arith.constant 2944 : i32
        %dma_start3A_83 = tpu.memref_slice %arg10[%dma_start3A_82] : memref<3200xi32, #tpu.memory_space<vmem>> -> memref<128xi32, #tpu.memory_space<vmem>>
        tpu.enqueue_dma source(%arg5 : memref<128xi32, #tpu.memory_space<hbm>>) target(%dma_start3A_83 : memref<128xi32, #tpu.memory_space<vmem>>) target_semaphore(%run_scoped3A : memref<!tpu.dma_semaphore, #tpu.memory_space<semaphore_mem>>)
        %dma_wait3A_84 = arith.constant 2944 : i32
        %dma_wait3A_85 = tpu.memref_slice %arg10[%dma_wait3A_84] : memref<3200xi32, #tpu.memory_space<vmem>> -> memref<128xi32, #tpu.memory_space<vmem>>
        %dma_wait3A_86 = arith.constant 2944 : i32
        %dma_wait3A_87 = tpu.memref_slice %arg10[%dma_wait3A_86] : memref<3200xi32, #tpu.memory_space<vmem>> -> memref<128xi32, #tpu.memory_space<vmem>>
        tpu.wait_dma2 semaphore(%run_scoped3A : memref<!tpu.dma_semaphore, #tpu.memory_space<semaphore_mem>>) src(%arg5 : memref<128xi32, #tpu.memory_space<hbm>>) dst(%dma_wait3A_87 : memref<128xi32, #tpu.memory_space<vmem>>)
        tpu.yield
      }) : () -> ()
      %dma_start3A_35 = arith.constant 0 : i32
      %dma_start3A_36 = tpu.memref_slice %arg9[%dma_start3A_35] : memref<3200xi32, #tpu.memory_space<vmem>> -> memref<128xi32, #tpu.memory_space<vmem>>
      %dma_start3A_37 = arith.constant 0 : i32
      %dma_start3A_38 = arith.constant 0 : i32
      %dma_start3A_39 = tpu.memref_slice %arg14[%dma_start3A_37, %dma_start3A_38] : memref<512x128xf32, #tpu.memory_space<vmem_shared>> -> memref<512x128xf32, #tpu.memory_space<vmem_shared>>
      tpu.enqueue_indirect_dma source(%dma_start3A_39 : memref<512x128xf32, #tpu.memory_space<vmem_shared>>) target(%arg11 : memref<128x128xf32, #tpu.memory_space<vmem>>) offsets(%dma_start3A_36 : memref<128xi32, #tpu.memory_space<vmem>>) semaphore(%arg16 : memref<!tpu.dma_semaphore, #tpu.memory_space<semaphore_mem>>)
      %scan3A = arith.constant 0 : i32
      %scan3A_40 = arith.constant 0 : i32
      %scan3A_41 = arith.constant 8 : i32
      %scan3A_42 = arith.addi %scan3A_40, %scan3A_41 : i32
      %scan3A_43 = arith.constant 1 : i32
      scf.for %scan3A_80 = %scan3A_40 to %scan3A_42 step %scan3A_43  : i32 {
        %mul3A_81 = arith.constant 3 : i32
        %mul3A_82 = arith.muli %mul3A_81, %scan3A_80 : i32
        %add3A_83 = arith.constant 0 : i32
        %add3A_84 = arith.addi %mul3A_82, %add3A_83 : i32
        %lt3A_85 = arith.constant 24 : i32
        %lt3A_86 = arith.cmpi slt, %add3A_84, %lt3A_85 : i32
        %convert_element_type3A_87 = arith.extui %lt3A_86 : i1 to i32
        %cond3A_88 = arith.constant 0 : i32
        %cond3A_89 = arith.cmpi ne, %convert_element_type3A_87, %cond3A_88 : i32
        scf.if %cond3A_89 {
          %ge3A_108 = arith.constant 1 : i32
          %ge3A_109 = arith.cmpi sge, %add3A_84, %ge3A_108 : i32
          %convert_element_type3A_110 = arith.extui %ge3A_109 : i1 to i32
          %cond3A_111 = arith.constant 0 : i32
          %cond3A_112 = arith.cmpi ne, %convert_element_type3A_110, %cond3A_111 : i32
          scf.if %cond3A_112 {
            %sub3A = arith.constant 1 : i32
            %sub3A_137 = arith.subi %add3A_84, %sub3A : i32
            %mul3A_138 = arith.constant 128 : i32
            %mul3A_139 = arith.muli %sub3A_137, %mul3A_138 : i32
            %dma_wait3A_140 = tpu.memref_slice %arg10[%mul3A_139] : memref<3200xi32, #tpu.memory_space<vmem>> -> memref<128xi32, #tpu.memory_space<vmem>>
            %dma_wait3A_141 = arith.constant 0 : i32
            %dma_wait3A_142 = arith.constant 0 : i32
            %dma_wait3A_143 = tpu.memref_slice %arg15[%dma_wait3A_141, %dma_wait3A_142] : memref<512x128xf32, #tpu.memory_space<vmem_shared>> -> memref<512x128xf32, #tpu.memory_space<vmem_shared>>
            tpu.wait_indirect_dma semaphore(%arg21 : memref<!tpu.dma_semaphore, #tpu.memory_space<semaphore_mem>>) src(%dma_wait3A_143 : memref<512x128xf32, #tpu.memory_space<vmem_shared>>) dst(%arg13 : memref<128x128xf32, #tpu.memory_space<vmem>>)
            %sub3A_144 = arith.constant 1 : i32
            %sub3A_145 = arith.subi %add3A_84, %sub3A_144 : i32
            %add3A_146 = arith.constant 758 : i32
            %add3A_147 = arith.addi %add3A_146, %sub3A_145 : i32
            %lt3A_148 = arith.constant 781 : i32
            %lt3A_149 = arith.cmpi slt, %add3A_147, %lt3A_148 : i32
            %convert_element_type3A_150 = arith.extui %lt3A_149 : i1 to i32
            %cond3A_151 = arith.constant 0 : i32
            %cond3A_152 = arith.cmpi ne, %convert_element_type3A_150, %cond3A_151 : i32
            scf.if %cond3A_152 {
              %mul3A_158 = arith.constant 128 : i32
              %mul3A_159 = arith.muli %add3A_147, %mul3A_158 : i32
              %dma_start3A_160 = arith.constant 0 : i32
              %dma_start3A_161 = tpu.memref_slice %arg8[%mul3A_159, %dma_start3A_160] : memref<100000x128xf32, #tpu.memory_space<hbm>> -> memref<128x128xf32, #tpu.memory_space<hbm>>
              %dma_start3A_162 = arith.constant 0 : i32
              %dma_start3A_163 = tpu.memref_slice %arg8[%mul3A_159, %dma_start3A_162] : memref<100000x128xf32, #tpu.memory_space<hbm>> -> memref<128x128xf32, #tpu.memory_space<hbm>>
              tpu.enqueue_dma source(%arg13 : memref<128x128xf32, #tpu.memory_space<vmem>>) target(%dma_start3A_163 : memref<128x128xf32, #tpu.memory_space<hbm>>) target_semaphore(%arg24 : memref<!tpu.dma_semaphore, #tpu.memory_space<semaphore_mem>>)
            } else {
            }
            %eq3A_153 = arith.constant 781 : i32
            %eq3A_154 = arith.cmpi eq, %add3A_147, %eq3A_153 : i32
            %convert_element_type3A_155 = arith.extui %eq3A_154 : i1 to i32
            %cond3A_156 = arith.constant 0 : i32
            %cond3A_157 = arith.cmpi ne, %convert_element_type3A_155, %cond3A_156 : i32
            scf.if %cond3A_157 {
              %mul3A_158 = arith.constant 128 : i32
              %mul3A_159 = arith.muli %add3A_147, %mul3A_158 : i32
              %dma_start3A_160 = arith.constant 0 : i32
              %dma_start3A_161 = arith.constant 0 : i32
              %dma_start3A_162 = tpu.memref_slice %arg13[%dma_start3A_160, %dma_start3A_161] : memref<128x128xf32, #tpu.memory_space<vmem>> -> memref<32x128xf32, #tpu.memory_space<vmem>>
              %dma_start3A_163 = arith.constant 0 : i32
              %dma_start3A_164 = tpu.memref_slice %arg8[%mul3A_159, %dma_start3A_163] : memref<100000x128xf32, #tpu.memory_space<hbm>> -> memref<32x128xf32, #tpu.memory_space<hbm>>
              %dma_start3A_165 = arith.constant 0 : i32
              %dma_start3A_166 = tpu.memref_slice %arg8[%mul3A_159, %dma_start3A_165] : memref<100000x128xf32, #tpu.memory_space<hbm>> -> memref<32x128xf32, #tpu.memory_space<hbm>>
              %dma_start3A_167 = arith.constant 0 : i32
              %dma_start3A_168 = arith.constant 0 : i32
              %dma_start3A_169 = tpu.memref_slice %arg13[%dma_start3A_167, %dma_start3A_168] : memref<128x128xf32, #tpu.memory_space<vmem>> -> memref<32x128xf32, #tpu.memory_space<vmem>>
              tpu.enqueue_dma source(%dma_start3A_169 : memref<32x128xf32, #tpu.memory_space<vmem>>) target(%dma_start3A_166 : memref<32x128xf32, #tpu.memory_space<hbm>>) target_semaphore(%arg24 : memref<!tpu.dma_semaphore, #tpu.memory_space<semaphore_mem>>)
            } else {
            }
          } else {
          }
          %ge3A_113 = arith.constant 2 : i32
          %ge3A_114 = arith.cmpi sge, %add3A_84, %ge3A_113 : i32
          %convert_element_type3A_115 = arith.extui %ge3A_114 : i1 to i32
          %cond3A_116 = arith.constant 0 : i32
          %cond3A_117 = arith.cmpi ne, %convert_element_type3A_115, %cond3A_116 : i32
          scf.if %cond3A_117 {
            %sub3A = arith.constant 2 : i32
            %sub3A_137 = arith.subi %add3A_84, %sub3A : i32
            %add3A_138 = arith.constant 758 : i32
            %add3A_139 = arith.addi %add3A_138, %sub3A_137 : i32
            %lt3A_140 = arith.constant 781 : i32
            %lt3A_141 = arith.cmpi slt, %add3A_139, %lt3A_140 : i32
            %convert_element_type3A_142 = arith.extui %lt3A_141 : i1 to i32
            %cond3A_143 = arith.constant 0 : i32
            %cond3A_144 = arith.cmpi ne, %convert_element_type3A_142, %cond3A_143 : i32
            scf.if %cond3A_144 {
              %mul3A_150 = arith.constant 128 : i32
              %mul3A_151 = arith.muli %add3A_139, %mul3A_150 : i32
              %dma_wait3A_152 = arith.constant 0 : i32
              %dma_wait3A_153 = tpu.memref_slice %arg8[%mul3A_151, %dma_wait3A_152] : memref<100000x128xf32, #tpu.memory_space<hbm>> -> memref<128x128xf32, #tpu.memory_space<hbm>>
              %dma_wait3A_154 = arith.constant 0 : i32
              %dma_wait3A_155 = tpu.memref_slice %arg8[%mul3A_151, %dma_wait3A_154] : memref<100000x128xf32, #tpu.memory_space<hbm>> -> memref<128x128xf32, #tpu.memory_space<hbm>>
              tpu.wait_dma2 semaphore(%arg23 : memref<!tpu.dma_semaphore, #tpu.memory_space<semaphore_mem>>) src(%arg12 : memref<128x128xf32, #tpu.memory_space<vmem>>) dst(%dma_wait3A_155 : memref<128x128xf32, #tpu.memory_space<hbm>>)
            } else {
            }
            %eq3A_145 = arith.constant 781 : i32
            %eq3A_146 = arith.cmpi eq, %add3A_139, %eq3A_145 : i32
            %convert_element_type3A_147 = arith.extui %eq3A_146 : i1 to i32
            %cond3A_148 = arith.constant 0 : i32
            %cond3A_149 = arith.cmpi ne, %convert_element_type3A_147, %cond3A_148 : i32
            scf.if %cond3A_149 {
              %mul3A_150 = arith.constant 128 : i32
              %mul3A_151 = arith.muli %add3A_139, %mul3A_150 : i32
              %dma_wait3A_152 = arith.constant 0 : i32
              %dma_wait3A_153 = arith.constant 0 : i32
              %dma_wait3A_154 = tpu.memref_slice %arg12[%dma_wait3A_152, %dma_wait3A_153] : memref<128x128xf32, #tpu.memory_space<vmem>> -> memref<32x128xf32, #tpu.memory_space<vmem>>
              %dma_wait3A_155 = arith.constant 0 : i32
              %dma_wait3A_156 = tpu.memref_slice %arg8[%mul3A_151, %dma_wait3A_155] : memref<100000x128xf32, #tpu.memory_space<hbm>> -> memref<32x128xf32, #tpu.memory_space<hbm>>
              %dma_wait3A_157 = arith.constant 0 : i32
              %dma_wait3A_158 = tpu.memref_slice %arg8[%mul3A_151, %dma_wait3A_157] : memref<100000x128xf32, #tpu.memory_space<hbm>> -> memref<32x128xf32, #tpu.memory_space<hbm>>
              %dma_wait3A_159 = arith.constant 0 : i32
              %dma_wait3A_160 = arith.constant 0 : i32
              %dma_wait3A_161 = tpu.memref_slice %arg12[%dma_wait3A_159, %dma_wait3A_160] : memref<128x128xf32, #tpu.memory_space<vmem>> -> memref<32x128xf32, #tpu.memory_space<vmem>>
              tpu.wait_dma2 semaphore(%arg23 : memref<!tpu.dma_semaphore, #tpu.memory_space<semaphore_mem>>) src(%dma_wait3A_161 : memref<32x128xf32, #tpu.memory_space<vmem>>) dst(%dma_wait3A_158 : memref<32x128xf32, #tpu.memory_space<hbm>>)
            } else {
            }
          } else {
          }
          %mul3A_118 = arith.constant 128 : i32
          %mul3A_119 = arith.muli %add3A_84, %mul3A_118 : i32
          %dma_wait3A_120 = tpu.memref_slice %arg9[%mul3A_119] : memref<3200xi32, #tpu.memory_space<vmem>> -> memref<128xi32, #tpu.memory_space<vmem>>
          %dma_wait3A_121 = arith.constant 0 : i32
          %dma_wait3A_122 = arith.constant 0 : i32
          %dma_wait3A_123 = tpu.memref_slice %arg14[%dma_wait3A_121, %dma_wait3A_122] : memref<512x128xf32, #tpu.memory_space<vmem_shared>> -> memref<512x128xf32, #tpu.memory_space<vmem_shared>>
          tpu.wait_indirect_dma semaphore(%arg16 : memref<!tpu.dma_semaphore, #tpu.memory_space<semaphore_mem>>) src(%dma_wait3A_123 : memref<512x128xf32, #tpu.memory_space<vmem_shared>>) dst(%arg11 : memref<128x128xf32, #tpu.memory_space<vmem>>)
          %mul3A_124 = arith.constant 128 : i32
          %mul3A_125 = arith.muli %add3A_84, %mul3A_124 : i32
          %dma_start3A_126 = tpu.memref_slice %arg10[%mul3A_125] : memref<3200xi32, #tpu.memory_space<vmem>> -> memref<128xi32, #tpu.memory_space<vmem>>
          %dma_start3A_127 = arith.constant 0 : i32
          %dma_start3A_128 = arith.constant 0 : i32
          %dma_start3A_129 = tpu.memref_slice %arg15[%dma_start3A_127, %dma_start3A_128] : memref<512x128xf32, #tpu.memory_space<vmem_shared>> -> memref<512x128xf32, #tpu.memory_space<vmem_shared>>
          tpu.enqueue_indirect_dma source(%dma_start3A_129 : memref<512x128xf32, #tpu.memory_space<vmem_shared>>) target(%arg11 : memref<128x128xf32, #tpu.memory_space<vmem>>) offsets(%dma_start3A_126 : memref<128xi32, #tpu.memory_space<vmem>>) semaphore(%arg19 : memref<!tpu.dma_semaphore, #tpu.memory_space<semaphore_mem>>)
          %add3A_130 = arith.constant 1 : i32
          %add3A_131 = arith.addi %add3A_84, %add3A_130 : i32
          %lt3A_132 = arith.constant 24 : i32
          %lt3A_133 = arith.cmpi slt, %add3A_131, %lt3A_132 : i32
          %convert_element_type3A_134 = arith.extui %lt3A_133 : i1 to i32
          %cond3A_135 = arith.constant 0 : i32
          %cond3A_136 = arith.cmpi ne, %convert_element_type3A_134, %cond3A_135 : i32
          scf.if %cond3A_136 {
            %add3A_137 = arith.constant 1 : i32
            %add3A_138 = arith.addi %add3A_84, %add3A_137 : i32
            %mul3A_139 = arith.constant 128 : i32
            %mul3A_140 = arith.muli %add3A_138, %mul3A_139 : i32
            %dma_start3A_141 = tpu.memref_slice %arg9[%mul3A_140] : memref<3200xi32, #tpu.memory_space<vmem>> -> memref<128xi32, #tpu.memory_space<vmem>>
            %dma_start3A_142 = arith.constant 0 : i32
            %dma_start3A_143 = arith.constant 0 : i32
            %dma_start3A_144 = tpu.memref_slice %arg14[%dma_start3A_142, %dma_start3A_143] : memref<512x128xf32, #tpu.memory_space<vmem_shared>> -> memref<512x128xf32, #tpu.memory_space<vmem_shared>>
            tpu.enqueue_indirect_dma source(%dma_start3A_144 : memref<512x128xf32, #tpu.memory_space<vmem_shared>>) target(%arg12 : memref<128x128xf32, #tpu.memory_space<vmem>>) offsets(%dma_start3A_141 : memref<128xi32, #tpu.memory_space<vmem>>) semaphore(%arg17 : memref<!tpu.dma_semaphore, #tpu.memory_space<semaphore_mem>>)
          } else {
          }
        } else {
        }
        %mul3A_90 = arith.constant 3 : i32
        %mul3A_91 = arith.muli %mul3A_90, %scan3A_80 : i32
        %add3A_92 = arith.constant 1 : i32
        %add3A_93 = arith.addi %mul3A_91, %add3A_92 : i32
        %lt3A_94 = arith.constant 24 : i32
        %lt3A_95 = arith.cmpi slt, %add3A_93, %lt3A_94 : i32
        %convert_element_type3A_96 = arith.extui %lt3A_95 : i1 to i32
        %cond3A_97 = arith.constant 0 : i32
        %cond3A_98 = arith.cmpi ne, %convert_element_type3A_96, %cond3A_97 : i32
        scf.if %cond3A_98 {
          %ge3A_108 = arith.constant 1 : i32
          %ge3A_109 = arith.cmpi sge, %add3A_93, %ge3A_108 : i32
          %convert_element_type3A_110 = arith.extui %ge3A_109 : i1 to i32
          %cond3A_111 = arith.constant 0 : i32
          %cond3A_112 = arith.cmpi ne, %convert_element_type3A_110, %cond3A_111 : i32
          scf.if %cond3A_112 {
            %sub3A = arith.constant 1 : i32
            %sub3A_137 = arith.subi %add3A_93, %sub3A : i32
            %mul3A_138 = arith.constant 128 : i32
            %mul3A_139 = arith.muli %sub3A_137, %mul3A_138 : i32
            %dma_wait3A_140 = tpu.memref_slice %arg10[%mul3A_139] : memref<3200xi32, #tpu.memory_space<vmem>> -> memref<128xi32, #tpu.memory_space<vmem>>
            %dma_wait3A_141 = arith.constant 0 : i32
            %dma_wait3A_142 = arith.constant 0 : i32
            %dma_wait3A_143 = tpu.memref_slice %arg15[%dma_wait3A_141, %dma_wait3A_142] : memref<512x128xf32, #tpu.memory_space<vmem_shared>> -> memref<512x128xf32, #tpu.memory_space<vmem_shared>>
            tpu.wait_indirect_dma semaphore(%arg19 : memref<!tpu.dma_semaphore, #tpu.memory_space<semaphore_mem>>) src(%dma_wait3A_143 : memref<512x128xf32, #tpu.memory_space<vmem_shared>>) dst(%arg11 : memref<128x128xf32, #tpu.memory_space<vmem>>)
            %sub3A_144 = arith.constant 1 : i32
            %sub3A_145 = arith.subi %add3A_93, %sub3A_144 : i32
            %add3A_146 = arith.constant 758 : i32
            %add3A_147 = arith.addi %add3A_146, %sub3A_145 : i32
            %lt3A_148 = arith.constant 781 : i32
            %lt3A_149 = arith.cmpi slt, %add3A_147, %lt3A_148 : i32
            %convert_element_type3A_150 = arith.extui %lt3A_149 : i1 to i32
            %cond3A_151 = arith.constant 0 : i32
            %cond3A_152 = arith.cmpi ne, %convert_element_type3A_150, %cond3A_151 : i32
            scf.if %cond3A_152 {
              %mul3A_158 = arith.constant 128 : i32
              %mul3A_159 = arith.muli %add3A_147, %mul3A_158 : i32
              %dma_start3A_160 = arith.constant 0 : i32
              %dma_start3A_161 = tpu.memref_slice %arg8[%mul3A_159, %dma_start3A_160] : memref<100000x128xf32, #tpu.memory_space<hbm>> -> memref<128x128xf32, #tpu.memory_space<hbm>>
              %dma_start3A_162 = arith.constant 0 : i32
              %dma_start3A_163 = tpu.memref_slice %arg8[%mul3A_159, %dma_start3A_162] : memref<100000x128xf32, #tpu.memory_space<hbm>> -> memref<128x128xf32, #tpu.memory_space<hbm>>
              tpu.enqueue_dma source(%arg11 : memref<128x128xf32, #tpu.memory_space<vmem>>) target(%dma_start3A_163 : memref<128x128xf32, #tpu.memory_space<hbm>>) target_semaphore(%arg22 : memref<!tpu.dma_semaphore, #tpu.memory_space<semaphore_mem>>)
            } else {
            }
            %eq3A_153 = arith.constant 781 : i32
            %eq3A_154 = arith.cmpi eq, %add3A_147, %eq3A_153 : i32
            %convert_element_type3A_155 = arith.extui %eq3A_154 : i1 to i32
            %cond3A_156 = arith.constant 0 : i32
            %cond3A_157 = arith.cmpi ne, %convert_element_type3A_155, %cond3A_156 : i32
            scf.if %cond3A_157 {
              %mul3A_158 = arith.constant 128 : i32
              %mul3A_159 = arith.muli %add3A_147, %mul3A_158 : i32
              %dma_start3A_160 = arith.constant 0 : i32
              %dma_start3A_161 = arith.constant 0 : i32
              %dma_start3A_162 = tpu.memref_slice %arg11[%dma_start3A_160, %dma_start3A_161] : memref<128x128xf32, #tpu.memory_space<vmem>> -> memref<32x128xf32, #tpu.memory_space<vmem>>
              %dma_start3A_163 = arith.constant 0 : i32
              %dma_start3A_164 = tpu.memref_slice %arg8[%mul3A_159, %dma_start3A_163] : memref<100000x128xf32, #tpu.memory_space<hbm>> -> memref<32x128xf32, #tpu.memory_space<hbm>>
              %dma_start3A_165 = arith.constant 0 : i32
              %dma_start3A_166 = tpu.memref_slice %arg8[%mul3A_159, %dma_start3A_165] : memref<100000x128xf32, #tpu.memory_space<hbm>> -> memref<32x128xf32, #tpu.memory_space<hbm>>
              %dma_start3A_167 = arith.constant 0 : i32
              %dma_start3A_168 = arith.constant 0 : i32
              %dma_start3A_169 = tpu.memref_slice %arg11[%dma_start3A_167, %dma_start3A_168] : memref<128x128xf32, #tpu.memory_space<vmem>> -> memref<32x128xf32, #tpu.memory_space<vmem>>
              tpu.enqueue_dma source(%dma_start3A_169 : memref<32x128xf32, #tpu.memory_space<vmem>>) target(%dma_start3A_166 : memref<32x128xf32, #tpu.memory_space<hbm>>) target_semaphore(%arg22 : memref<!tpu.dma_semaphore, #tpu.memory_space<semaphore_mem>>)
            } else {
            }
          } else {
          }
          %ge3A_113 = arith.constant 2 : i32
          %ge3A_114 = arith.cmpi sge, %add3A_93, %ge3A_113 : i32
          %convert_element_type3A_115 = arith.extui %ge3A_114 : i1 to i32
          %cond3A_116 = arith.constant 0 : i32
          %cond3A_117 = arith.cmpi ne, %convert_element_type3A_115, %cond3A_116 : i32
          scf.if %cond3A_117 {
            %sub3A = arith.constant 2 : i32
            %sub3A_137 = arith.subi %add3A_93, %sub3A : i32
            %add3A_138 = arith.constant 758 : i32
            %add3A_139 = arith.addi %add3A_138, %sub3A_137 : i32
            %lt3A_140 = arith.constant 781 : i32
            %lt3A_141 = arith.cmpi slt, %add3A_139, %lt3A_140 : i32
            %convert_element_type3A_142 = arith.extui %lt3A_141 : i1 to i32
            %cond3A_143 = arith.constant 0 : i32
            %cond3A_144 = arith.cmpi ne, %convert_element_type3A_142, %cond3A_143 : i32
            scf.if %cond3A_144 {
              %mul3A_150 = arith.constant 128 : i32
              %mul3A_151 = arith.muli %add3A_139, %mul3A_150 : i32
              %dma_wait3A_152 = arith.constant 0 : i32
              %dma_wait3A_153 = tpu.memref_slice %arg8[%mul3A_151, %dma_wait3A_152] : memref<100000x128xf32, #tpu.memory_space<hbm>> -> memref<128x128xf32, #tpu.memory_space<hbm>>
              %dma_wait3A_154 = arith.constant 0 : i32
              %dma_wait3A_155 = tpu.memref_slice %arg8[%mul3A_151, %dma_wait3A_154] : memref<100000x128xf32, #tpu.memory_space<hbm>> -> memref<128x128xf32, #tpu.memory_space<hbm>>
              tpu.wait_dma2 semaphore(%arg24 : memref<!tpu.dma_semaphore, #tpu.memory_space<semaphore_mem>>) src(%arg13 : memref<128x128xf32, #tpu.memory_space<vmem>>) dst(%dma_wait3A_155 : memref<128x128xf32, #tpu.memory_space<hbm>>)
            } else {
            }
            %eq3A_145 = arith.constant 781 : i32
            %eq3A_146 = arith.cmpi eq, %add3A_139, %eq3A_145 : i32
            %convert_element_type3A_147 = arith.extui %eq3A_146 : i1 to i32
            %cond3A_148 = arith.constant 0 : i32
            %cond3A_149 = arith.cmpi ne, %convert_element_type3A_147, %cond3A_148 : i32
            scf.if %cond3A_149 {
              %mul3A_150 = arith.constant 128 : i32
              %mul3A_151 = arith.muli %add3A_139, %mul3A_150 : i32
              %dma_wait3A_152 = arith.constant 0 : i32
              %dma_wait3A_153 = arith.constant 0 : i32
              %dma_wait3A_154 = tpu.memref_slice %arg13[%dma_wait3A_152, %dma_wait3A_153] : memref<128x128xf32, #tpu.memory_space<vmem>> -> memref<32x128xf32, #tpu.memory_space<vmem>>
              %dma_wait3A_155 = arith.constant 0 : i32
              %dma_wait3A_156 = tpu.memref_slice %arg8[%mul3A_151, %dma_wait3A_155] : memref<100000x128xf32, #tpu.memory_space<hbm>> -> memref<32x128xf32, #tpu.memory_space<hbm>>
              %dma_wait3A_157 = arith.constant 0 : i32
              %dma_wait3A_158 = tpu.memref_slice %arg8[%mul3A_151, %dma_wait3A_157] : memref<100000x128xf32, #tpu.memory_space<hbm>> -> memref<32x128xf32, #tpu.memory_space<hbm>>
              %dma_wait3A_159 = arith.constant 0 : i32
              %dma_wait3A_160 = arith.constant 0 : i32
              %dma_wait3A_161 = tpu.memref_slice %arg13[%dma_wait3A_159, %dma_wait3A_160] : memref<128x128xf32, #tpu.memory_space<vmem>> -> memref<32x128xf32, #tpu.memory_space<vmem>>
              tpu.wait_dma2 semaphore(%arg24 : memref<!tpu.dma_semaphore, #tpu.memory_space<semaphore_mem>>) src(%dma_wait3A_161 : memref<32x128xf32, #tpu.memory_space<vmem>>) dst(%dma_wait3A_158 : memref<32x128xf32, #tpu.memory_space<hbm>>)
            } else {
            }
          } else {
          }
          %mul3A_118 = arith.constant 128 : i32
          %mul3A_119 = arith.muli %add3A_93, %mul3A_118 : i32
          %dma_wait3A_120 = tpu.memref_slice %arg9[%mul3A_119] : memref<3200xi32, #tpu.memory_space<vmem>> -> memref<128xi32, #tpu.memory_space<vmem>>
          %dma_wait3A_121 = arith.constant 0 : i32
          %dma_wait3A_122 = arith.constant 0 : i32
          %dma_wait3A_123 = tpu.memref_slice %arg14[%dma_wait3A_121, %dma_wait3A_122] : memref<512x128xf32, #tpu.memory_space<vmem_shared>> -> memref<512x128xf32, #tpu.memory_space<vmem_shared>>
          tpu.wait_indirect_dma semaphore(%arg17 : memref<!tpu.dma_semaphore, #tpu.memory_space<semaphore_mem>>) src(%dma_wait3A_123 : memref<512x128xf32, #tpu.memory_space<vmem_shared>>) dst(%arg12 : memref<128x128xf32, #tpu.memory_space<vmem>>)
          %mul3A_124 = arith.constant 128 : i32
          %mul3A_125 = arith.muli %add3A_93, %mul3A_124 : i32
          %dma_start3A_126 = tpu.memref_slice %arg10[%mul3A_125] : memref<3200xi32, #tpu.memory_space<vmem>> -> memref<128xi32, #tpu.memory_space<vmem>>
          %dma_start3A_127 = arith.constant 0 : i32
          %dma_start3A_128 = arith.constant 0 : i32
          %dma_start3A_129 = tpu.memref_slice %arg15[%dma_start3A_127, %dma_start3A_128] : memref<512x128xf32, #tpu.memory_space<vmem_shared>> -> memref<512x128xf32, #tpu.memory_space<vmem_shared>>
          tpu.enqueue_indirect_dma source(%dma_start3A_129 : memref<512x128xf32, #tpu.memory_space<vmem_shared>>) target(%arg12 : memref<128x128xf32, #tpu.memory_space<vmem>>) offsets(%dma_start3A_126 : memref<128xi32, #tpu.memory_space<vmem>>) semaphore(%arg20 : memref<!tpu.dma_semaphore, #tpu.memory_space<semaphore_mem>>)
          %add3A_130 = arith.constant 1 : i32
          %add3A_131 = arith.addi %add3A_93, %add3A_130 : i32
          %lt3A_132 = arith.constant 24 : i32
          %lt3A_133 = arith.cmpi slt, %add3A_131, %lt3A_132 : i32
          %convert_element_type3A_134 = arith.extui %lt3A_133 : i1 to i32
          %cond3A_135 = arith.constant 0 : i32
          %cond3A_136 = arith.cmpi ne, %convert_element_type3A_134, %cond3A_135 : i32
          scf.if %cond3A_136 {
            %add3A_137 = arith.constant 1 : i32
            %add3A_138 = arith.addi %add3A_93, %add3A_137 : i32
            %mul3A_139 = arith.constant 128 : i32
            %mul3A_140 = arith.muli %add3A_138, %mul3A_139 : i32
            %dma_start3A_141 = tpu.memref_slice %arg9[%mul3A_140] : memref<3200xi32, #tpu.memory_space<vmem>> -> memref<128xi32, #tpu.memory_space<vmem>>
            %dma_start3A_142 = arith.constant 0 : i32
            %dma_start3A_143 = arith.constant 0 : i32
            %dma_start3A_144 = tpu.memref_slice %arg14[%dma_start3A_142, %dma_start3A_143] : memref<512x128xf32, #tpu.memory_space<vmem_shared>> -> memref<512x128xf32, #tpu.memory_space<vmem_shared>>
            tpu.enqueue_indirect_dma source(%dma_start3A_144 : memref<512x128xf32, #tpu.memory_space<vmem_shared>>) target(%arg13 : memref<128x128xf32, #tpu.memory_space<vmem>>) offsets(%dma_start3A_141 : memref<128xi32, #tpu.memory_space<vmem>>) semaphore(%arg18 : memref<!tpu.dma_semaphore, #tpu.memory_space<semaphore_mem>>)
          } else {
          }
        } else {
        }
        %mul3A_99 = arith.constant 3 : i32
        %mul3A_100 = arith.muli %mul3A_99, %scan3A_80 : i32
        %add3A_101 = arith.constant 2 : i32
        %add3A_102 = arith.addi %mul3A_100, %add3A_101 : i32
        %lt3A_103 = arith.constant 24 : i32
        %lt3A_104 = arith.cmpi slt, %add3A_102, %lt3A_103 : i32
        %convert_element_type3A_105 = arith.extui %lt3A_104 : i1 to i32
        %cond3A_106 = arith.constant 0 : i32
        %cond3A_107 = arith.cmpi ne, %convert_element_type3A_105, %cond3A_106 : i32
        scf.if %cond3A_107 {
          %ge3A_108 = arith.constant 1 : i32
          %ge3A_109 = arith.cmpi sge, %add3A_102, %ge3A_108 : i32
          %convert_element_type3A_110 = arith.extui %ge3A_109 : i1 to i32
          %cond3A_111 = arith.constant 0 : i32
          %cond3A_112 = arith.cmpi ne, %convert_element_type3A_110, %cond3A_111 : i32
          scf.if %cond3A_112 {
            %sub3A = arith.constant 1 : i32
            %sub3A_137 = arith.subi %add3A_102, %sub3A : i32
            %mul3A_138 = arith.constant 128 : i32
            %mul3A_139 = arith.muli %sub3A_137, %mul3A_138 : i32
            %dma_wait3A_140 = tpu.memref_slice %arg10[%mul3A_139] : memref<3200xi32, #tpu.memory_space<vmem>> -> memref<128xi32, #tpu.memory_space<vmem>>
            %dma_wait3A_141 = arith.constant 0 : i32
            %dma_wait3A_142 = arith.constant 0 : i32
            %dma_wait3A_143 = tpu.memref_slice %arg15[%dma_wait3A_141, %dma_wait3A_142] : memref<512x128xf32, #tpu.memory_space<vmem_shared>> -> memref<512x128xf32, #tpu.memory_space<vmem_shared>>
            tpu.wait_indirect_dma semaphore(%arg20 : memref<!tpu.dma_semaphore, #tpu.memory_space<semaphore_mem>>) src(%dma_wait3A_143 : memref<512x128xf32, #tpu.memory_space<vmem_shared>>) dst(%arg12 : memref<128x128xf32, #tpu.memory_space<vmem>>)
            %sub3A_144 = arith.constant 1 : i32
            %sub3A_145 = arith.subi %add3A_102, %sub3A_144 : i32
            %add3A_146 = arith.constant 758 : i32
            %add3A_147 = arith.addi %add3A_146, %sub3A_145 : i32
            %lt3A_148 = arith.constant 781 : i32
            %lt3A_149 = arith.cmpi slt, %add3A_147, %lt3A_148 : i32
            %convert_element_type3A_150 = arith.extui %lt3A_149 : i1 to i32
            %cond3A_151 = arith.constant 0 : i32
            %cond3A_152 = arith.cmpi ne, %convert_element_type3A_150, %cond3A_151 : i32
            scf.if %cond3A_152 {
              %mul3A_158 = arith.constant 128 : i32
              %mul3A_159 = arith.muli %add3A_147, %mul3A_158 : i32
              %dma_start3A_160 = arith.constant 0 : i32
              %dma_start3A_161 = tpu.memref_slice %arg8[%mul3A_159, %dma_start3A_160] : memref<100000x128xf32, #tpu.memory_space<hbm>> -> memref<128x128xf32, #tpu.memory_space<hbm>>
              %dma_start3A_162 = arith.constant 0 : i32
              %dma_start3A_163 = tpu.memref_slice %arg8[%mul3A_159, %dma_start3A_162] : memref<100000x128xf32, #tpu.memory_space<hbm>> -> memref<128x128xf32, #tpu.memory_space<hbm>>
              tpu.enqueue_dma source(%arg12 : memref<128x128xf32, #tpu.memory_space<vmem>>) target(%dma_start3A_163 : memref<128x128xf32, #tpu.memory_space<hbm>>) target_semaphore(%arg23 : memref<!tpu.dma_semaphore, #tpu.memory_space<semaphore_mem>>)
            } else {
            }
            %eq3A_153 = arith.constant 781 : i32
            %eq3A_154 = arith.cmpi eq, %add3A_147, %eq3A_153 : i32
            %convert_element_type3A_155 = arith.extui %eq3A_154 : i1 to i32
            %cond3A_156 = arith.constant 0 : i32
            %cond3A_157 = arith.cmpi ne, %convert_element_type3A_155, %cond3A_156 : i32
            scf.if %cond3A_157 {
              %mul3A_158 = arith.constant 128 : i32
              %mul3A_159 = arith.muli %add3A_147, %mul3A_158 : i32
              %dma_start3A_160 = arith.constant 0 : i32
              %dma_start3A_161 = arith.constant 0 : i32
              %dma_start3A_162 = tpu.memref_slice %arg12[%dma_start3A_160, %dma_start3A_161] : memref<128x128xf32, #tpu.memory_space<vmem>> -> memref<32x128xf32, #tpu.memory_space<vmem>>
              %dma_start3A_163 = arith.constant 0 : i32
              %dma_start3A_164 = tpu.memref_slice %arg8[%mul3A_159, %dma_start3A_163] : memref<100000x128xf32, #tpu.memory_space<hbm>> -> memref<32x128xf32, #tpu.memory_space<hbm>>
              %dma_start3A_165 = arith.constant 0 : i32
              %dma_start3A_166 = tpu.memref_slice %arg8[%mul3A_159, %dma_start3A_165] : memref<100000x128xf32, #tpu.memory_space<hbm>> -> memref<32x128xf32, #tpu.memory_space<hbm>>
              %dma_start3A_167 = arith.constant 0 : i32
              %dma_start3A_168 = arith.constant 0 : i32
              %dma_start3A_169 = tpu.memref_slice %arg12[%dma_start3A_167, %dma_start3A_168] : memref<128x128xf32, #tpu.memory_space<vmem>> -> memref<32x128xf32, #tpu.memory_space<vmem>>
              tpu.enqueue_dma source(%dma_start3A_169 : memref<32x128xf32, #tpu.memory_space<vmem>>) target(%dma_start3A_166 : memref<32x128xf32, #tpu.memory_space<hbm>>) target_semaphore(%arg23 : memref<!tpu.dma_semaphore, #tpu.memory_space<semaphore_mem>>)
            } else {
            }
          } else {
          }
          %ge3A_113 = arith.constant 2 : i32
          %ge3A_114 = arith.cmpi sge, %add3A_102, %ge3A_113 : i32
          %convert_element_type3A_115 = arith.extui %ge3A_114 : i1 to i32
          %cond3A_116 = arith.constant 0 : i32
          %cond3A_117 = arith.cmpi ne, %convert_element_type3A_115, %cond3A_116 : i32
          scf.if %cond3A_117 {
            %sub3A = arith.constant 2 : i32
            %sub3A_137 = arith.subi %add3A_102, %sub3A : i32
            %add3A_138 = arith.constant 758 : i32
            %add3A_139 = arith.addi %add3A_138, %sub3A_137 : i32
            %lt3A_140 = arith.constant 781 : i32
            %lt3A_141 = arith.cmpi slt, %add3A_139, %lt3A_140 : i32
            %convert_element_type3A_142 = arith.extui %lt3A_141 : i1 to i32
            %cond3A_143 = arith.constant 0 : i32
            %cond3A_144 = arith.cmpi ne, %convert_element_type3A_142, %cond3A_143 : i32
            scf.if %cond3A_144 {
              %mul3A_150 = arith.constant 128 : i32
              %mul3A_151 = arith.muli %add3A_139, %mul3A_150 : i32
              %dma_wait3A_152 = arith.constant 0 : i32
              %dma_wait3A_153 = tpu.memref_slice %arg8[%mul3A_151, %dma_wait3A_152] : memref<100000x128xf32, #tpu.memory_space<hbm>> -> memref<128x128xf32, #tpu.memory_space<hbm>>
              %dma_wait3A_154 = arith.constant 0 : i32
              %dma_wait3A_155 = tpu.memref_slice %arg8[%mul3A_151, %dma_wait3A_154] : memref<100000x128xf32, #tpu.memory_space<hbm>> -> memref<128x128xf32, #tpu.memory_space<hbm>>
              tpu.wait_dma2 semaphore(%arg22 : memref<!tpu.dma_semaphore, #tpu.memory_space<semaphore_mem>>) src(%arg11 : memref<128x128xf32, #tpu.memory_space<vmem>>) dst(%dma_wait3A_155 : memref<128x128xf32, #tpu.memory_space<hbm>>)
            } else {
            }
            %eq3A_145 = arith.constant 781 : i32
            %eq3A_146 = arith.cmpi eq, %add3A_139, %eq3A_145 : i32
            %convert_element_type3A_147 = arith.extui %eq3A_146 : i1 to i32
            %cond3A_148 = arith.constant 0 : i32
            %cond3A_149 = arith.cmpi ne, %convert_element_type3A_147, %cond3A_148 : i32
            scf.if %cond3A_149 {
              %mul3A_150 = arith.constant 128 : i32
              %mul3A_151 = arith.muli %add3A_139, %mul3A_150 : i32
              %dma_wait3A_152 = arith.constant 0 : i32
              %dma_wait3A_153 = arith.constant 0 : i32
              %dma_wait3A_154 = tpu.memref_slice %arg11[%dma_wait3A_152, %dma_wait3A_153] : memref<128x128xf32, #tpu.memory_space<vmem>> -> memref<32x128xf32, #tpu.memory_space<vmem>>
              %dma_wait3A_155 = arith.constant 0 : i32
              %dma_wait3A_156 = tpu.memref_slice %arg8[%mul3A_151, %dma_wait3A_155] : memref<100000x128xf32, #tpu.memory_space<hbm>> -> memref<32x128xf32, #tpu.memory_space<hbm>>
              %dma_wait3A_157 = arith.constant 0 : i32
              %dma_wait3A_158 = tpu.memref_slice %arg8[%mul3A_151, %dma_wait3A_157] : memref<100000x128xf32, #tpu.memory_space<hbm>> -> memref<32x128xf32, #tpu.memory_space<hbm>>
              %dma_wait3A_159 = arith.constant 0 : i32
              %dma_wait3A_160 = arith.constant 0 : i32
              %dma_wait3A_161 = tpu.memref_slice %arg11[%dma_wait3A_159, %dma_wait3A_160] : memref<128x128xf32, #tpu.memory_space<vmem>> -> memref<32x128xf32, #tpu.memory_space<vmem>>
              tpu.wait_dma2 semaphore(%arg22 : memref<!tpu.dma_semaphore, #tpu.memory_space<semaphore_mem>>) src(%dma_wait3A_161 : memref<32x128xf32, #tpu.memory_space<vmem>>) dst(%dma_wait3A_158 : memref<32x128xf32, #tpu.memory_space<hbm>>)
            } else {
            }
          } else {
          }
          %mul3A_118 = arith.constant 128 : i32
          %mul3A_119 = arith.muli %add3A_102, %mul3A_118 : i32
          %dma_wait3A_120 = tpu.memref_slice %arg9[%mul3A_119] : memref<3200xi32, #tpu.memory_space<vmem>> -> memref<128xi32, #tpu.memory_space<vmem>>
          %dma_wait3A_121 = arith.constant 0 : i32
          %dma_wait3A_122 = arith.constant 0 : i32
          %dma_wait3A_123 = tpu.memref_slice %arg14[%dma_wait3A_121, %dma_wait3A_122] : memref<512x128xf32, #tpu.memory_space<vmem_shared>> -> memref<512x128xf32, #tpu.memory_space<vmem_shared>>
          tpu.wait_indirect_dma semaphore(%arg18 : memref<!tpu.dma_semaphore, #tpu.memory_space<semaphore_mem>>) src(%dma_wait3A_123 : memref<512x128xf32, #tpu.memory_space<vmem_shared>>) dst(%arg13 : memref<128x128xf32, #tpu.memory_space<vmem>>)
          %mul3A_124 = arith.constant 128 : i32
          %mul3A_125 = arith.muli %add3A_102, %mul3A_124 : i32
          %dma_start3A_126 = tpu.memref_slice %arg10[%mul3A_125] : memref<3200xi32, #tpu.memory_space<vmem>> -> memref<128xi32, #tpu.memory_space<vmem>>
          %dma_start3A_127 = arith.constant 0 : i32
          %dma_start3A_128 = arith.constant 0 : i32
          %dma_start3A_129 = tpu.memref_slice %arg15[%dma_start3A_127, %dma_start3A_128] : memref<512x128xf32, #tpu.memory_space<vmem_shared>> -> memref<512x128xf32, #tpu.memory_space<vmem_shared>>
          tpu.enqueue_indirect_dma source(%dma_start3A_129 : memref<512x128xf32, #tpu.memory_space<vmem_shared>>) target(%arg13 : memref<128x128xf32, #tpu.memory_space<vmem>>) offsets(%dma_start3A_126 : memref<128xi32, #tpu.memory_space<vmem>>) semaphore(%arg21 : memref<!tpu.dma_semaphore, #tpu.memory_space<semaphore_mem>>)
          %add3A_130 = arith.constant 1 : i32
          %add3A_131 = arith.addi %add3A_102, %add3A_130 : i32
          %lt3A_132 = arith.constant 24 : i32
          %lt3A_133 = arith.cmpi slt, %add3A_131, %lt3A_132 : i32
          %convert_element_type3A_134 = arith.extui %lt3A_133 : i1 to i32
          %cond3A_135 = arith.constant 0 : i32
          %cond3A_136 = arith.cmpi ne, %convert_element_type3A_134, %cond3A_135 : i32
          scf.if %cond3A_136 {
            %add3A_137 = arith.constant 1 : i32
            %add3A_138 = arith.addi %add3A_102, %add3A_137 : i32
            %mul3A_139 = arith.constant 128 : i32
            %mul3A_140 = arith.muli %add3A_138, %mul3A_139 : i32
            %dma_start3A_141 = tpu.memref_slice %arg9[%mul3A_140] : memref<3200xi32, #tpu.memory_space<vmem>> -> memref<128xi32, #tpu.memory_space<vmem>>
            %dma_start3A_142 = arith.constant 0 : i32
            %dma_start3A_143 = arith.constant 0 : i32
            %dma_start3A_144 = tpu.memref_slice %arg14[%dma_start3A_142, %dma_start3A_143] : memref<512x128xf32, #tpu.memory_space<vmem_shared>> -> memref<512x128xf32, #tpu.memory_space<vmem_shared>>
            tpu.enqueue_indirect_dma source(%dma_start3A_144 : memref<512x128xf32, #tpu.memory_space<vmem_shared>>) target(%arg11 : memref<128x128xf32, #tpu.memory_space<vmem>>) offsets(%dma_start3A_141 : memref<128xi32, #tpu.memory_space<vmem>>) semaphore(%arg16 : memref<!tpu.dma_semaphore, #tpu.memory_space<semaphore_mem>>)
          } else {
          }
        } else {
        }
      }
      %scan3A_44 = arith.constant 8 : i32
      %dma_wait3A_45 = arith.constant 2944 : i32
      %dma_wait3A_46 = tpu.memref_slice %arg10[%dma_wait3A_45] : memref<3200xi32, #tpu.memory_space<vmem>> -> memref<128xi32, #tpu.memory_space<vmem>>
      %dma_wait3A_47 = arith.constant 0 : i32
      %dma_wait3A_48 = arith.constant 0 : i32
      %dma_wait3A_49 = tpu.memref_slice %arg15[%dma_wait3A_47, %dma_wait3A_48] : memref<512x128xf32, #tpu.memory_space<vmem_shared>> -> memref<512x128xf32, #tpu.memory_space<vmem_shared>>
      tpu.wait_indirect_dma semaphore(%arg21 : memref<!tpu.dma_semaphore, #tpu.memory_space<semaphore_mem>>) src(%dma_wait3A_49 : memref<512x128xf32, #tpu.memory_space<vmem_shared>>) dst(%arg13 : memref<128x128xf32, #tpu.memory_space<vmem>>)
      %dma_start3A_50 = arith.constant 0 : i32
      %dma_start3A_51 = arith.constant 0 : i32
      %dma_start3A_52 = tpu.memref_slice %arg13[%dma_start3A_50, %dma_start3A_51] : memref<128x128xf32, #tpu.memory_space<vmem>> -> memref<32x128xf32, #tpu.memory_space<vmem>>
      %dma_start3A_53 = arith.constant 99968 : i32
      %dma_start3A_54 = arith.constant 0 : i32
      %dma_start3A_55 = tpu.memref_slice %arg8[%dma_start3A_53, %dma_start3A_54] : memref<100000x128xf32, #tpu.memory_space<hbm>> -> memref<32x128xf32, #tpu.memory_space<hbm>>
      %dma_start3A_56 = arith.constant 99968 : i32
      %dma_start3A_57 = arith.constant 0 : i32
      %dma_start3A_58 = tpu.memref_slice %arg8[%dma_start3A_56, %dma_start3A_57] : memref<100000x128xf32, #tpu.memory_space<hbm>> -> memref<32x128xf32, #tpu.memory_space<hbm>>
      %dma_start3A_59 = arith.constant 0 : i32
      %dma_start3A_60 = arith.constant 0 : i32
      %dma_start3A_61 = tpu.memref_slice %arg13[%dma_start3A_59, %dma_start3A_60] : memref<128x128xf32, #tpu.memory_space<vmem>> -> memref<32x128xf32, #tpu.memory_space<vmem>>
      tpu.enqueue_dma source(%dma_start3A_61 : memref<32x128xf32, #tpu.memory_space<vmem>>) target(%dma_start3A_58 : memref<32x128xf32, #tpu.memory_space<hbm>>) target_semaphore(%arg24 : memref<!tpu.dma_semaphore, #tpu.memory_space<semaphore_mem>>)
      %dma_wait3A_62 = arith.constant 99840 : i32
      %dma_wait3A_63 = arith.constant 0 : i32
      %dma_wait3A_64 = tpu.memref_slice %arg8[%dma_wait3A_62, %dma_wait3A_63] : memref<100000x128xf32, #tpu.memory_space<hbm>> -> memref<128x128xf32, #tpu.memory_space<hbm>>
      %dma_wait3A_65 = arith.constant 99840 : i32
      %dma_wait3A_66 = arith.constant 0 : i32
      %dma_wait3A_67 = tpu.memref_slice %arg8[%dma_wait3A_65, %dma_wait3A_66] : memref<100000x128xf32, #tpu.memory_space<hbm>> -> memref<128x128xf32, #tpu.memory_space<hbm>>
      tpu.wait_dma2 semaphore(%arg23 : memref<!tpu.dma_semaphore, #tpu.memory_space<semaphore_mem>>) src(%arg12 : memref<128x128xf32, #tpu.memory_space<vmem>>) dst(%dma_wait3A_67 : memref<128x128xf32, #tpu.memory_space<hbm>>)
      %dma_wait3A_68 = arith.constant 0 : i32
      %dma_wait3A_69 = arith.constant 0 : i32
      %dma_wait3A_70 = tpu.memref_slice %arg13[%dma_wait3A_68, %dma_wait3A_69] : memref<128x128xf32, #tpu.memory_space<vmem>> -> memref<32x128xf32, #tpu.memory_space<vmem>>
      %dma_wait3A_71 = arith.constant 99968 : i32
      %dma_wait3A_72 = arith.constant 0 : i32
      %dma_wait3A_73 = tpu.memref_slice %arg8[%dma_wait3A_71, %dma_wait3A_72] : memref<100000x128xf32, #tpu.memory_space<hbm>> -> memref<32x128xf32, #tpu.memory_space<hbm>>
      %dma_wait3A_74 = arith.constant 99968 : i32
      %dma_wait3A_75 = arith.constant 0 : i32
      %dma_wait3A_76 = tpu.memref_slice %arg8[%dma_wait3A_74, %dma_wait3A_75] : memref<100000x128xf32, #tpu.memory_space<hbm>> -> memref<32x128xf32, #tpu.memory_space<hbm>>
      %dma_wait3A_77 = arith.constant 0 : i32
      %dma_wait3A_78 = arith.constant 0 : i32
      %dma_wait3A_79 = tpu.memref_slice %arg13[%dma_wait3A_77, %dma_wait3A_78] : memref<128x128xf32, #tpu.memory_space<vmem>> -> memref<32x128xf32, #tpu.memory_space<vmem>>
      tpu.wait_dma2 semaphore(%arg24 : memref<!tpu.dma_semaphore, #tpu.memory_space<semaphore_mem>>) src(%dma_wait3A_79 : memref<32x128xf32, #tpu.memory_space<vmem>>) dst(%dma_wait3A_76 : memref<32x128xf32, #tpu.memory_space<hbm>>)
    } else {
    }
    return
  }
}

</mosaic_0001>

<sc_bundles>
// kernel: kernel.3.cloned.1.call-start
scs
__scs_entry_jumppad:
0x0: {  	(pc) =	sbr.rel $0x88, $3  }
0x1: {  	(tag) =	ssettag $0x0;
	lr =	simm.s32 $0x1  }
0x2: {  	[smem:$0x3F9D] =	sst lr;
	_ =	strace $0xD0000000  }
0x3: {  	_ = 	snop  }
0x4: {  	_ = 	snop  }
0x5: {  	_ = 	snop  }
0x6: {  	_ = 	snop  }
0x7: {  	_ = 	snop  }
__scs_overlays_trampoline_lowered:
0x8: {  	[smem:$0x3FAC] =	sst s0  }
0x9: {  	[smem:$0x3FAD] =	sst s1  }
0xa: {  	[smem:$0x3FAE] =	sst s2  }
0xb: {  	[smem:$0x3FAF] =	sst s3  }
0xc: {  	[smem:$0x3FB0] =	sst s4  }
0xd: {  	[smem:$0x3FB1] =	sst s5  }
0xe: {  	[smem:$0x3FB2] =	sst s6  }
0xf: {  	[smem:$0x3FB3] =	sst s7  }
0x10: {  	[smem:$0x3FB4] =	sst s8  }
0x11: {  	[smem:$0x3FB5] =	sst s9;
	s0 =	simm.s32 @!p0 $0x0  }
0x12: {  	s1 =	sld [smem:$0x3F9B];
	s0 =	simm.s32 @p0 $0x1  }
0x13: {  	[smem:$0x3FB6] =	sst s0;
	s0 =	simm.s32 @!p1 $0x0  }
0x14: {  	s2 =	sld [smem:$0x3F9A];
	s0 =	simm.s32 @p1 $0x1  }
0x15: {  	[smem:$0x3FB7] =	sst s0;
	s0 =	simm.s32 @!p2 $0x0  }
0x16: {  	s3 =	sld [smem:$0x3FDB];
	s0 =	simm.s32 @p2 $0x1  }
0x17: {  	s4 =	simm.s32 $0x1BF5;
	[smem:$0x3FB9] =	sst s0  }
0x18: {  	s0 =	sld [smem:$0x3F9C];
	_ =	swait.ge [sflag:s4], $0x0  }
0x19: {  	s7 =	sld [smem:$0x3F9D]  }
0x1a: {  	s8 =	sadd.s32 $0xFFFFE003, lr  }
0x1b: {  	s9 =	sadd.s32 $0xFFFFFEF7, lr;
	s5 =	simm.s32 $0xFFFFFFFF;
	p2 =	slt.u32 s8, $0xFFFFF086  }
0x1c: {  	p1 =	slt.u32 s9, $0xF7A;
	s5 =	simm.s32 @!p2 $0x0  }
0x1d: {  	s5 =	simm.s32 @p1 $0x1;
	p0 =	seq.s32 s7, s2  }
0x1e: {  	s7 =	smul.u32 @!p0 $0xF7A, s2;
	p2 =	seq.s32 @!p0 s5, $0x0  }
0x1f: {  	s9 =	smul.u32 $0xF7A, s1;
	s8 =	simm.s32 @!p0 $0x1BF5;
	p2 =	por !p2, p0  }
0x20: {  	[sflag:s8] =	ssyncset.s32 @!p0 $0xFFFFF086;
	s6 =	sadd.s32 @!p0 s3, s7;
	s7 =	simm.s32 @!p0 $0x108  }
0x21: {  	s3 =	sadd.s32 s3, s9;
	s6 =	sadd.s32 @!p0 $0x88, s6;
	s7 =	simm.s32 @p2 $0x1082  }
0x22: {  	[simem:s7], [sflag:s8] =	dma.local @!p0 [hbm:s6], $0xF7A  }
0x23: {  	s9 =	sor.u32 $0xD0000000, s2;
	s6 =	simm.s32 $0x108;
	_ =	swait.ge @!p0 [sflag:s8], $0x0  }
0x24: {  	s3 =	sadd.s32 $0x88, s3;
	s6 =	simm.s32 @!p1 $0x1082;
	[sflag:s4] =	ssyncset.s32 $0xFFFFF086  }
0x25: {  	[simem:s6], [sflag:s4] =	dma.local [hbm:s3], $0xF7A  }
0x26: {  	[smem:$0x3F9D] =	sst s1;
	(tag) =	ssettag s2;
	_ =	strace s9  }
0x27: {  	s1 =	sld [smem:$0x3FAD]  }
0x28: {  	s2 =	sld [smem:$0x3FAE]  }
0x29: {  	s4 =	sld [smem:$0x3FB0]  }
0x2a: {  	p0 =	seq.s32 s5, $0x0;
	s5 =	sld [smem:$0x3FB1]  }
0x2b: {  	s6 =	sld [smem:$0x3FB2]  }
0x2c: {  	s7 =	sld [smem:$0x3FB3]  }
0x2d: {  	s3 =	simm.s32 $0x108;
	s8 =	sld [smem:$0x3FB4]  }
0x2e: {  	s3 =	simm.s32 @!p0 $0x1082;
	s9 =	sld [smem:$0x3FB5]  }
0x2f: {  	lr =	sadd.s32 s0, s3;
	s0 =	sld [smem:$0x3FAC]  }
0x30: {  	s3 =	sld [smem:$0x3FAF]  }
0x31: {  	[smem:$0x3FB8] =	sst s10  }
0x32: {  	s10 =	sld [smem:$0x3FB6];
	_ =	sdelay $0x3  }
0x33: {  	p0 =	seq.s32 s10, $0x1;
	s10 =	sld [smem:$0x3FB8];
	_ =	sdelay $0x3  }
0x34: {  	[smem:$0x3FB8] =	sst s10  }
0x35: {  	s10 =	sld [smem:$0x3FB7];
	_ =	sdelay $0x3  }
0x36: {  	p1 =	seq.s32 s10, $0x1;
	s10 =	sld [smem:$0x3FB8];
	_ =	sdelay $0x3  }
0x37: {  	[smem:$0x3FB8] =	sst s10  }
0x38: {  	s10 =	sld [smem:$0x3FB9]  }
0x39: {  	_ = 	snop;
	(pc) =	sbr.ind lr, $3  }
0x3a: {  	_ = 	snop  }
0x3b: {  	_ = 	snop  }
0x3c: {  	p2 =	seq.s32 s10, $0x1;
	s10 =	sld [smem:$0x3FB8]  }
0x3d: {  	_ =	shalt  }
0x3e: {  	_ =	shalt  }
0x3f: {  	_ =	shalt  }
0x40: {  	_ =	shalt  }
0x41: {  	_ =	shalt  }
0x42: {  	_ =	shalt  }
0x43: {  	_ =	shalt  }
0x44: {  	_ =	shalt  }
0x45: {  	_ =	shalt  }
0x46: {  	_ =	shalt  }
0x47: {  	_ =	shalt  }
0x48: {  	_ =	shalt  }
0x49: {  	_ =	shalt  }
0x4a: {  	_ =	shalt  }
0x4b: {  	_ =	shalt  }
0x4c: {  	_ =	shalt  }
0x4d: {  	_ =	shalt  }
0x4e: {  	_ =	shalt  }
0x4f: {  	_ =	shalt  }
0x50: {  	_ =	shalt  }
0x51: {  	_ =	shalt  }
0x52: {  	_ =	shalt  }
0x53: {  	_ =	shalt  }
0x54: {  	_ =	shalt  }
0x55: {  	_ =	shalt  }
0x56: {  	_ =	shalt  }
0x57: {  	_ =	shalt  }
0x58: {  	_ =	shalt  }
0x59: {  	_ =	shalt  }
0x5a: {  	_ =	shalt  }
0x5b: {  	_ =	shalt  }
0x5c: {  	_ =	shalt  }
0x5d: {  	_ =	shalt  }
0x5e: {  	_ =	shalt  }
0x5f: {  	_ =	shalt  }
0x60: {  	_ =	shalt  }
0x61: {  	_ =	shalt  }
0x62: {  	_ =	shalt  }
0x63: {  	_ =	shalt  }
0x64: {  	_ =	shalt  }
0x65: {  	_ =	shalt  }
0x66: {  	_ =	shalt  }
0x67: {  	_ =	shalt  }
0x68: {  	_ =	shalt  }
0x69: {  	_ =	shalt  }
0x6a: {  	_ =	shalt  }
0x6b: {  	_ =	shalt  }
0x6c: {  	_ =	shalt  }
0x6d: {  	_ =	shalt  }
0x6e: {  	_ =	shalt  }
0x6f: {  	_ =	shalt  }
0x70: {  	_ =	shalt  }
0x71: {  	_ =	shalt  }
0x72: {  	_ =	shalt  }
0x73: {  	_ =	shalt  }
0x74: {  	_ =	shalt  }
0x75: {  	_ =	shalt  }
0x76: {  	_ =	shalt  }
0x77: {  	_ =	shalt  }
0x78: {  	_ =	shalt  }
0x79: {  	_ =	shalt  }
0x7a: {  	_ =	shalt  }
0x7b: {  	_ =	shalt  }
0x7c: {  	_ =	shalt  }
0x7d: {  	_ =	shalt  }
0x7e: {  	_ =	shalt  }
0x7f: {  	_ =	shalt  }
0x80: {  	_ =	shalt  }
0x81: {  	_ =	shalt  }
0x82: {  	_ =	shalt  }
0x83: {  	_ =	shalt  }
0x84: {  	_ =	shalt  }
0x85: {  	_ =	shalt  }
0x86: {  	_ =	shalt  }
0x87: {  	_ =	shalt  }
.Lfunc_end0:
.L_simem_size_0:
called_computation_lowered:
.L_overlay_start_0:
0x88: {  	s2 =	sld [smem:$0x3FD9]  }
0x89: {  	s3 =	sld [smem:$0x3FFE];
	_ =	sdelay $0x1  }
0x8a: {  	s1 =	srdreg.scid  }
0x8b: {  	s0 =	sand.u32 $0x1, s1  }
0x8c: {  	s17 =	sshll.u32 s0, $0xA;
	s2 =	sadd.s32 s3, s2  }
0x8d: {  	s2 =	sadd.s32 s2, s17  }
0x8e: {  	[smem:$0x3FC4] =	sst s2  }
0x8f: {  	_ = 	snop  }
0x90: {  	s2 =	sld [smem:$0x3FC9]  }
0x91: {  	s18 =	sld [smem:$0x3FC8]  }
0x92: {  	s4 =	sld [smem:$0x3FC7]  }
0x93: {  	s5 =	sld [smem:$0x3FC6]  }
0x94: {  	s6 =	sld [smem:$0x3FD0];
	(tm) =	ssettm $0x1  }
0x95: {  	s7 =	sld [smem:$0x3FFB];
	_ =	sdelay $0x3  }
0x96: {  	_ =	strace s7  }
0x97: {  	s7 =	sld [smem:$0x3FFC];
	_ =	sdelay $0x3  }
0x98: {  	_ =	strace s7  }
0x99: {  	s7 =	sld [smem:$0x3FFD];
	_ =	sdelay $0x3  }
0x9a: {  	_ =	strace s7  }
0x9b: {  	_ =	strace $0x8FFFFFFF  }
0x9c: {  	s19 =	sld [smem:$0x3FDB];
	_ =	sdelay $0x1  }
0x9d: {  	s8 =	simm.s32 $_scs_section_size  }
0x9e: {  	s9 =	simm.s32 $_size__tile_overlayer_lowered;
	s10 =	simm.s32 $_tile_overlayer_lowered  }
0x9f: {  	s22 =	simm.s32 $0x1BFF;
	s21 =	sshll.u32 s10, $0x1;
	s7 =	sadd.s32 s8, s19  }
0xa0: {  	s11 =	simm.s32 $0x0;
	s20 =	sshll.u32 s9, $0x1;
	s9 =	sadd.s32 s21, s7  }
0xa1: {  	[timem:s11], [sflag:s22] =	dma.local [hbm:s9], s20  }
0xa2: {  	_ =	swait.ge [sflag:s22], s20  }
0xa3: {  	s8 =	ssub.s32 $0x0, s20;
	[sflag:s22] =	ssyncset.done $0x0  }
0xa4: {  	[sflag:s22] =	ssyncadd.s32 s8;
	_ =	sdelay $0x1  }
0xa5: {  	s23 =	simm.s32 $0x1B8B  }
0xa6: {  	_ =	swait.ge [sflag:s23], $0x1  }
0xa7: {  	[sflag:s23] =	ssyncset.done $0x0  }
0xa8: {  	s25 =	simm.s32 $0x1B8E;
	s24 =	sld [smem:$0x3FFE];
	[sflag:s23] =	ssyncadd.s32 $0xFFFFFFFF  }
0xa9: {  	s26 =	simm.s32 $execute0_lowered;
	[smem:$0x3FD2] =	sst s25  }
0xaa: {  	s9 =	sshll.u32 s26, $0x1;
	_ =	strace $0x80000046;
	[dreg:$0x1] =	wrdreg $0xFFFFFFFF  }
0xab: {  	s28 =	simm.s32 $_size_execute0_lowered;
	s7 =	sadd.s32 s7, s9;
	[dreg:$0x0] =	wrdreg $0x0  }
0xac: {  	s9 =	sshll.u32 s28, $0x1;
	[dreg:$0x2] =	wrdreg s7  }
0xad: {  	[dreg:$0x3] =	wrdreg s9  }
0xae: {  	[dreg:$0x4] =	wrdreg $0xC0  }
0xaf: {  	_ =	task [dreg:s11], $0x5FFFF  }
0xb0: {  	[dreg:$0x1] =	wrdreg $0xFFFFFFFF  }
0xb1: {  	[dreg:$0x0] =	wrdreg $0x60  }
0xb2: {  	[dreg:$0x2] =	wrdreg s2  }
0xb3: {  	[dreg:$0x3] =	wrdreg s18  }
0xb4: {  	[dreg:$0x4] =	wrdreg s24  }
0xb5: {  	[dreg:$0x5] =	wrdreg s4  }
0xb6: {  	[dreg:$0x6] =	wrdreg s5  }
0xb7: {  	[dreg:$0x7] =	wrdreg s6  }
0xb8: {  	[dreg:$0x8] =	wrdreg $0xD9000  }
0xb9: {  	[dreg:$0x9] =	wrdreg $0xE9000  }
0xba: {  	[dreg:$0xa] =	wrdreg $0x9  }
0xbb: {  	_ =	task.clear_ibuf [dreg:s11], $0xBFFFF;
	_ =	strace $0x90000046  }
0xbc: {  	s29 =	simm.s32 $0x9;
	_ =	strace $0x80000048  }
0xbd: {  	_ =	swait.ge [sflag:s29], $0x1  }
0xbe: {  	[sflag:s29] =	ssyncadd.s32 $0xFFFFFFFF  }
0xbf: {  	_ =	strace $0x90000048  }
0xc0: {  	_ =	sfence  }
0xc1: {  	s30 =	sld [smem:$0x0];
	_ =	sdelay $0x2  }
0xc2: {  	s31 =	sshll.u32 s1, $0xD;
	s1 =	sshrl.u32 s1, $0x2  }
0xc3: {  	s3 =	sand.u32 $0x4000, s31;
	s1 =	sadd.s32 s1, s30  }
0xc4: {  	s0 =	sor.u32 s3, s0;
	s1 =	sshll.u32 s1, $0x11  }
0xc5: {  	s0 =	sor.u32 s1, s0  }
0xc6: {  	s0 =	sadd.s32 $0x8F2B, s0  }
0xc7: {  	[sflag:s0] =	ssyncadd.remote.s32 $0x1  }
0xc8: {  	_ =	sfence.sel $0xFFFF  }
0xc9: {  	[dreg:$0x0] =	wrdreg $0xFFFFFFFF;
	(pc) =	sbr.abs _section_cstart, $3  }
0xca: {  	[dreg:$0x1] =	wrdreg $0xFFFFFFFF  }
0xcb: {  	_ =	task.clear_ibuf [dreg:s11], $0x2FFFF;
	_ =	strace $0x9FFFFFFF  }
0xcc: {  	(tm) =	ssettm $0x7FFFFFFF  }
0xcd: {  	_ =	shalt  }
tec
execute0_lowered:
.L_overlay_start_1:
0x0: {  	(tag) =	ssettag $0x1  }
0x1: {  	s2 =	rddreg [dreg:$0x0]  }
0x2: {  	s0 =	rddreg [dreg:$0x1]  }
0x3: {  	s6 =	rddreg [dreg:$0x2]  }
0x4: {  	s7 =	rddreg [dreg:$0x3]  }
0x5: {  	s8 =	rddreg [dreg:$0x4];
	s3 =	srdreg.scid  }
0x6: {  	s20 =	stileid.u32;
	s1 =	rddreg [dreg:$0x5]  }
0x7: {  	s5 =	simm.s32 $0x0;
	s9 =	sand.u32 $0x1, s3;
	s10 =	smul.u32 $0x6400, s20  }
0x8: {  	s4 =	sshll.u32 s20, $0x1;
	s3 =	rddreg [dreg:$0x6];
	s15 =	smul.u32 $0x32, s20  }
0x9: {  	[smem:$0x7FF] =	sst s5;
	s16 =	sadd.s32 $0x400, s6;
	s23 =	smul.u32 $0x30, s20  }
0xa: {  	s6 =	sadd.s32 $0x600, s6;
	s22 =	sshll.u32 s20, $0xC;
	s26 =	smul.u32 $0x18000, s20  }
0xb: {  	s18 =	sshll.u32 s20, $0x9;
	s25 =	sshll.u32 s20, $0x6;
	s13 =	smul.u32 $0x3200, s9  }
0xc: {  	s11 =	sor.u32 s9, s4;
	s4 =	rddreg [dreg:$0x7];
	s17 =	smul.u32 $0x19, s9  }
0xd: {  	_ =	strace $0x80000047;
	[dreg:$0x9] =	wrdreg s16;
	s16 =	smul.u32 $0x19000, s20  }
0xe: {  	p4 =	sgt.u32 s20, $0x6;
	s14 =	ssub.s32 $0x2, s9;
	s19 =	smul.u32 $0xC800, s9  }
0xf: {  	[dreg:$0xa] =	wrdreg s6;
	s21 =	sadd.s32 s22, s3;
	s24 =	smul.u32 $0x18, s9  }
0x10: {  	s28 =	sadd.s32 s7, s18;
	s29 =	sadd.s32 s8, s18;
	s9 =	smul.u32 $0xC000, s9  }
0x11: {  	s12 =	smul.u32 $0x190, s11;
	s31 =	sshrl.u32 s14, $0x1;
	s18 =	sadd.s32 $0xFFFFFFF2, s11  }
0x12: {  	p2 =	seq.s32 s11, $0x1F;
	p3 =	sne.s32 s11, $0x1F;
	s6 =	ssub.s32 s14, s31  }
0x13: {  	s8 =	sadd.s32 s10, s13;
	s15 =	sadd.s32 s17, s15;
	s10 =	sor.u32 $0x1C0A, s25  }
0x14: {  	s14 =	sadd.s32 s19, s16;
	s31 =	smul.u32 $0xC800, s11;
	s7 =	sadd.s32 s24, s23  }
0x15: {  	s17 =	sadd.s32 s26, s1;
	s19 =	smul.u32 $0x18, s11;
	s16 =	sadd.s32 s22, s4  }
0x16: {  	p5 =	sgt.u32 s18, $0x10;
	[dreg:$0xb] =	wrdreg s14;
	s9 =	sadd.s32 s9, s17  }
0x17: {  	s22 =	sadd.s32 s2, s12;
	s12 =	sadd.s32 s0, s12;
	s30 =	smax.u32 s6, $0x1  }
0x18: {  	s17 =	sshll.u32 s7, $0xB;
	s6 =	sadd.s32 $0x186800, s1;
	[dreg:$0xc] =	wrdreg s22  }
0x19: {  	s7 =	simm.s32 $0xB;
	[dreg:$0xd] =	wrdreg s12;
	s23 =	sadd.s32 s31, s1  }
0x1a: {  	s24 =	sadd.s32 $0xE, s19;
	s25 =	sadd.s32 $0x25, s19;
	s18 =	sadd.s32 s1, s17  }
0x1b: {  	s19 =	sadd.s32 $0xFFFFFFFF, s15;
	s22 =	sadd.s32 $0x8800, s9;
	[dreg:$0x19] =	wrdreg s6  }
0x1c: {  	s15 =	simm.s32 $0x4;
	s17 =	simm.s32 $0x7;
	[dreg:$0x16] =	wrdreg s19  }
0x1d: {  	s12 =	sadd.s32 $0xC000, s23;
	s26 =	sshll.u32 s24, $0x4;
	[dreg:$0x18] =	wrdreg s22  }
0x1e: {  	p1 =	sne.s32 s25, $0x30D;
	[dreg:$0xe] =	wrdreg s12;
	s31 =	sadd.s32 s2, s26  }
0x1f: {  	s23 =	sadd.s32 $0xFFF9E400, s8;
	s13 =	sadd.s32 s0, s26;
	[dreg:$0xf] =	wrdreg s31  }
0x20: {  	s19 =	simm.s32 $0x2;
	s2 =	sadd.s32 $0x2F60, s2;
	[dreg:$0x10] =	wrdreg s13  }
0x21: {  	s22 =	simm.s32 $0x5;
	s0 =	sadd.s32 $0x2F60, s0;
	[dreg:$0x12] =	wrdreg s2  }
0x22: {  	s12 =	sshll.u32 s25, $0xB;
	s25 =	sadd.s32 $0x17B000, s1;
	[dreg:$0x13] =	wrdreg s0  }
0x23: {  	s26 =	sadd.s32 $0x17B800, s1;
	s12 =	sadd.s32 s1, s12;
	[dreg:$0x1b] =	wrdreg s25  }
0x24: {  	s13 =	sshll.u32 s24, $0xB;
	s24 =	sshrl.u32 s16, $0x3;
	[dreg:$0x1c] =	wrdreg s26  }
0x25: {  	s31 =	sadd.s32 $0x17D000, s1;
	s16 =	simm.s32 $0x9;
	s25 =	simm.s32 $0x6  }
0x26: {  	s26 =	simm.s32 $0x0;
	s2 =	simm.s32 @!p4 $0x0;
	[dreg:$0x11] =	wrdreg s12  }
0x27: {  	s12 =	smul.u32 $0xC000, s11;
	s0 =	sadd.s32 s1, s13;
	[dreg:$0x1a] =	wrdreg s24  }
0x28: {  	s11 =	sshrl.u32 s21, $0x3;
	[dreg:$0x1d] =	wrdreg s31;
	s13 =	simm.s32 $0x1900  }
.Ltmp0:
0x29: {  	s21 =	simm.s32 $0x9900;
	s24 =	simm.s32 $0x3;
	(pc) =	sbr.rel .LBB2_1-.Ltmp0, $4  }
0x2a: {  	s2 =	simm.s32 @p4 $0x1;
	[dreg:$0x14] =	wrdreg s0;
	s14 =	sadd.s32 s1, s12  }
0x2b: {  	[smem:$0x7FD] =	sst s2;
	s12 =	simm.s32 $0x80;
	s0 =	sadd.s32 $0x7800, s14  }
0x2c: {  	s14 =	simm.s32 $0x1;
	[dreg:$0x15] =	wrdreg s0;
	s0 =	sadd.s32 $0x8000, s18  }
0x2d: {  	s18 =	simm.s32 $0x5900;
	[dreg:$0x17] =	wrdreg s0;
	s0 =	simm.s32 $0x8  }
.LBB2_15:
0x2e: {  	_ =	swait.ge [sflag:s25], $0x4000  }
0x2f: {  	[sflag:s25] =	ssyncset.done $0x0  }
0x30: {  	[sflag:s25] =	ssyncadd.s32 $0xFFFFC000  }
0x31: {  	[hbm4b:s6+s5] =	stream.linear.scatter [tilespmem:s21], [sflag:$0x9], $0x1000, $0x38;
	[tilespmem:$0xF900] =	vst v63  }
0x32: {  	_ =	swait.ge [sflag:s0], $0x4000  }
0x33: {  	[sflag:s0] =	ssyncset.done $0x0  }
0x34: {  	[sflag:s0] =	ssyncadd.s32 $0xFFFFC000  }
0x35: {  	_ =	swait.ge [sflag:s16], $0x1000  }
0x36: {  	[sflag:s16] =	ssyncset.done $0x0  }
0x37: {  	[sflag:s16] =	ssyncadd.s32 $0xFFFFF000  }
.LBB2_16:
0x38: {  	s26 =	sadd.s32 $0x1, s26  }
0x39: {  	p0 =	sne.s32 s26, s30  }
.Ltmp1:
0x3a: {  	_ = 	snop;
	(pc) =	sbr.rel @!p0 .LBB2_17-.Ltmp1, $1  }
0x3b: {  	_ =	sdelay $0x3  }
.LBB2_1:
0x3c: {  	[spmem:s11], [sflag:s10] =	dma.local [hbm:s28], $0x200  }
0x3d: {  	s31 =	simm.s32 $0xA;
	s2 =	rddreg [dreg:$0x1a]  }
0x3e: {  	[spmem:s2], [sflag:s10] =	dma.local [hbm:s29], $0x200  }
0x3f: {  	_ =	swait.ge [sflag:s31], $0x200  }
0x40: {  	[sflag:s31] =	ssyncset.done $0x0  }
0x41: {  	[sflag:s31] =	ssyncadd.s32 $0xFFFFFE00  }
.Ltmp2:
0x42: {  	_ =	swait.ge [sflag:s31], $0x200;
	(pc) =	sbr.rel @p4 .LBB2_6-.Ltmp2, $3  }
0x43: {  	[sflag:s31] =	ssyncset.done $0x0  }
0x44: {  	[sflag:s31] =	ssyncadd.s32 $0xFFFFFE00  }
0x45: {  	[bflag:$0x0] =	sbarrier.arrive $0xFFFF;
	_ =	sdelay $0x1  }
0x46: {  	s6 =	smov.u32 s10;
	s31 =	simm.s32 $0x0;
	s2 =	rddreg [dreg:$0xc]  }
0x47: {  	[tilespmem:s31], [sflag:$0xB] =	stream.linear.gather [hbm4b:s2+s31], $0xC80, $0x38;
	[tilespmem:$0xF900] =	vst v63  }
0x48: {  	s10 =	smov.u32 s11;
	s11 =	smov.u32 s30;
	_ =	swait.ge [sflag:s7], $0xC80  }
0x49: {  	s30 =	smov.u32 s29;
	s29 =	smov.u32 s28;
	[sflag:s7] =	ssyncset.done $0x0  }
0x4a: {  	s8 =	simm.s32 $0xC80;
	s28 =	rddreg [dreg:$0xd];
	[sflag:s7] =	ssyncadd.s32 $0xFFFFF380  }
0x4b: {  	[tilespmem:s8], [sflag:$0xB] =	stream.linear.gather [hbm4b:s28+s31], $0xC80, $0x38;
	[tilespmem:$0xF900] =	vst v63  }
0x4c: {  	_ =	swait.ge [sflag:s7], $0xC80  }
0x4d: {  	p4 =	por p3, p3;
	[sflag:s7] =	ssyncset.done $0x0;
	s2 =	rddreg [dreg:$0xb]  }
0x4e: {  	p3 =	por p5, p5;
	s8 =	rddreg [dreg:$0x16];
	[sflag:s7] =	ssyncadd.s32 $0xFFFFF380  }
0x4f: {  	[tilespmem:s13], [sflag:$0x1] =	stream.indirect.gather [spmem:s3], $0x80, s31, s12, $0xb8;
	[tilespmem:$0xF900] =	vst v63  }
.LBB2_3:
0x50: {  	p5 =	seq.s32 s31, $0x0  }
0x51: {  	s9 =	simm.s32 @!p5 $0x6  }
0x52: {  	_ =	swait.ge @!p5 [sflag:s9], $0x4000  }
0x53: {  	s20 =	sadd.s32 @!p5 $0xFFFFF800, s2;
	[sflag:s9] =	ssyncset.done @!p5 $0x0  }
0x54: {  	[sflag:s9] =	ssyncadd.s32 @!p5 $0xFFFFC000;
	s9 =	sand.u32 @!p5 $0x1FFFF800, s20  }
0x55: {  	s28 =	simm.s32 @!p5 $0x9900;
	s20 =	simm.s32 @!p5 $0x0;
	s9 =	sadd.s32 @!p5 s1, s9  }
0x56: {  	[hbm4b:s9+s20] =	stream.linear.scatter @!p5 [tilespmem:s28], [sflag:$0x9], $0x4000, $0x38;
	[tilespmem:$0xF900] =	vst v63  }
0x57: {  	s9 =	simm.s32 @!p5 $0x8  }
0x58: {  	_ =	swait.ge @!p5 [sflag:s9], $0x4000  }
0x59: {  	p6 =	seq.s32 s31, $0x3000;
	[sflag:s9] =	ssyncset.done @!p5 $0x0  }
.Ltmp3:
0x5a: {  	[sflag:s9] =	ssyncadd.s32 @!p5 $0xFFFFC000;
	(pc) =	sbr.rel @p6 .LBB2_5-.Ltmp3, $4  }
0x5b: {  	_ =	swait.ge [sflag:s14], $0x4000  }
0x5c: {  	s9 =	sshra.s32 s31, $0x2;
	[sflag:s14] =	ssyncset.done $0x0  }
0x5d: {  	s28 =	sadd.s32 $0xC80, s9;
	[sflag:s14] =	ssyncadd.s32 $0xFFFFC000  }
0x5e: {  	[tilespmem:s13], [sflag:$0x4] =	stream.indirect.gather [spmem:s4], $0x80, s28, s12, $0xb8;
	[tilespmem:$0xF900] =	vst v63  }
0x5f: {  	s20 =	sadd.s32 $0x80, s9;
	p6 =	sgt.s32 @!p5 s8, $0x30C  }
0x60: {  	[tilespmem:s18], [sflag:$0x2] =	stream.indirect.gather [spmem:s3], $0x80, s20, s12, $0xb8;
	[tilespmem:$0xF900] =	vst v63  }
0x61: {  	s28 =	sadd.s32 @!p5 s31, s23;
	p0 =	por !p6, p5  }
0x62: {  	_ =	swait.ge [sflag:s15], $0x4000;
	p0 =	sne.s32 @!p0 s28, $0x0  }
0x63: {  	[sflag:s15] =	ssyncset.done $0x0;
	p0 =	por @!p5 p0, !p6  }
0x64: {  	s20 =	sadd.s32 s2, s1;
	[sflag:s15] =	ssyncadd.s32 $0xFFFFC000;
	p0 =	por p0, p5  }
0x65: {  	[hbm4b:s20+s5] =	stream.linear.scatter [tilespmem:s13], [sflag:$0x7], $0x4000, $0x38;
	[tilespmem:$0xF900] =	vst v63  }
0x66: {  	s28 =	simm.s32 @!p0 $0x9  }
0x67: {  	_ =	swait.ge @!p0 [sflag:s28], $0x1000  }
0x68: {  	p5 =	por p6, p5;
	[sflag:s28] =	ssyncset.done @!p0 $0x0  }
0x69: {  	[sflag:s28] =	ssyncadd.s32 @!p0 $0xFFFFF000;
	s28 =	simm.s32 @!p5 $0x9  }
0x6a: {  	_ =	swait.ge @!p5 [sflag:s28], $0x4000  }
0x6b: {  	[sflag:s28] =	ssyncset.done @!p5 $0x0  }
0x6c: {  	[sflag:s28] =	ssyncadd.s32 @!p5 $0xFFFFC000  }
0x6d: {  	_ =	swait.ge [sflag:s19], $0x4000  }
0x6e: {  	[sflag:s19] =	ssyncset.done $0x0  }
0x6f: {  	s28 =	sadd.s32 $0xD00, s9;
	[sflag:s19] =	ssyncadd.s32 $0xFFFFC000  }
0x70: {  	[tilespmem:s18], [sflag:$0x5] =	stream.indirect.gather [spmem:s4], $0x80, s28, s12, $0xb8;
	[tilespmem:$0xF900] =	vst v63  }
0x71: {  	s28 =	sadd.s32 $0x100, s9  }
0x72: {  	[tilespmem:s21], [sflag:$0x3] =	stream.indirect.gather [spmem:s3], $0x80, s28, s12, $0xb8;
	[tilespmem:$0xF900] =	vst v63  }
0x73: {  	_ =	swait.ge [sflag:s22], $0x4000  }
0x74: {  	[sflag:s22] =	ssyncset.done $0x0  }
0x75: {  	s20 =	sadd.s32 $0x800, s20;
	[sflag:s22] =	ssyncadd.s32 $0xFFFFC000  }
0x76: {  	[hbm4b:s20+s5] =	stream.linear.scatter [tilespmem:s18], [sflag:$0x8], $0x4000, $0x38;
	[tilespmem:$0xF900] =	vst v63  }
0x77: {  	_ =	swait.ge [sflag:s17], $0x4000  }
0x78: {  	[sflag:s17] =	ssyncset.done $0x0  }
0x79: {  	[sflag:s17] =	ssyncadd.s32 $0xFFFFC000  }
0x7a: {  	_ =	swait.ge [sflag:s24], $0x4000  }
.Ltmp4:
0x7b: {  	[sflag:s24] =	ssyncset.done $0x0;
	(pc) =	sbr.rel .LBB2_3-.Ltmp4, $4  }
0x7c: {  	s31 =	sadd.s32 $0x600, s31;
	s28 =	sadd.s32 $0xD80, s9;
	[sflag:s24] =	ssyncadd.s32 $0xFFFFC000  }
0x7d: {  	[tilespmem:s21], [sflag:$0x6] =	stream.indirect.gather [spmem:s4], $0x80, s28, s12, $0xb8;
	[tilespmem:$0xF900] =	vst v63  }
0x7e: {  	s8 =	sadd.s32 $0x3, s8;
	s2 =	sadd.s32 $0x1800, s2;
	s28 =	sadd.s32 $0x180, s9  }
0x7f: {  	[tilespmem:s13], [sflag:$0x1] =	stream.indirect.gather [spmem:s3], $0x80, s28, s12, $0xb8;
	[tilespmem:$0xF900] =	vst v63  }
.LBB2_5:
0x80: {  	_ =	swait.ge [sflag:s15], $0x4000  }
0x81: {  	[sflag:s15] =	ssyncset.done $0x0  }
0x82: {  	s2 =	rddreg [dreg:$0xe];
	[sflag:s15] =	ssyncadd.s32 $0xFFFFC000  }
0x83: {  	[hbm4b:s2+s5] =	stream.linear.scatter [tilespmem:s13], [sflag:$0x7], $0x4000, $0x38;
	[tilespmem:$0xF900] =	vst v63  }
0x84: {  	_ =	swait.ge [sflag:s16], $0x4000  }
0x85: {  	[sflag:s16] =	ssyncset.done $0x0  }
0x86: {  	[sflag:s16] =	ssyncadd.s32 $0xFFFFC000  }
0x87: {  	_ =	swait.ge [sflag:s17], $0x4000  }
0x88: {  	s28 =	smov.u32 s29;
	s29 =	smov.u32 s30;
	s31 =	sld [smem:$0x7FD]  }
0x89: {  	p5 =	por p3, p3;
	p3 =	por p4, p4;
	s30 =	smov.u32 s11  }
0x8a: {  	s11 =	smov.u32 s10;
	s10 =	smov.u32 s6;
	[sflag:s17] =	ssyncset.done $0x0  }
0x8b: {  	s6 =	rddreg [dreg:$0x19];
	[sflag:s17] =	ssyncadd.s32 $0xFFFFC000;
	p4 =	seq.s32 s31, $0x1  }
.LBB2_6:
.Ltmp5:
0x8c: {  	(pc) =	sbr.rel @p5 .LBB2_11-.Ltmp5, $1  }
0x8d: {  	_ =	sdelay $0x3  }
0x8e: {  	s31 =	simm.s32 $0x0;
	s2 =	rddreg [dreg:$0xf]  }
0x8f: {  	[tilespmem:s31], [sflag:$0xB] =	stream.linear.gather [hbm4b:s2+s31], $0xC00, $0x38;
	[tilespmem:$0xF900] =	vst v63  }
0x90: {  	_ =	swait.ge [sflag:s7], $0xC00  }
0x91: {  	[sflag:s7] =	ssyncset.done $0x0  }
0x92: {  	s8 =	simm.s32 $0xC80;
	s20 =	rddreg [dreg:$0x10];
	[sflag:s7] =	ssyncadd.s32 $0xFFFFF400  }
0x93: {  	[tilespmem:s8], [sflag:$0xB] =	stream.linear.gather [hbm4b:s20+s31], $0xC00, $0x38;
	[tilespmem:$0xF900] =	vst v63  }
0x94: {  	_ =	swait.ge [sflag:s7], $0xC00  }
0x95: {  	[sflag:s7] =	ssyncset.done $0x0  }
0x96: {  	[sflag:s7] =	ssyncadd.s32 $0xFFFFF400  }
0x97: {  	[tilespmem:s13], [sflag:$0x1] =	stream.indirect.gather [spmem:s3], $0x80, s31, s12, $0xb8;
	[tilespmem:$0xF900] =	vst v63  }
0x98: {  	_ =	swait.ge [sflag:s14], $0x4000  }
0x99: {  	[sflag:s14] =	ssyncset.done $0x0  }
0x9a: {  	[sflag:s14] =	ssyncadd.s32 $0xFFFFC000  }
0x9b: {  	[tilespmem:s13], [sflag:$0x4] =	stream.indirect.gather [spmem:s4], $0x80, s8, s12, $0xb8;
	[tilespmem:$0xF900] =	vst v63  }
0x9c: {  	_ = 	snop  }
0x9d: {  	[tilespmem:s18], [sflag:$0x2] =	stream.indirect.gather [spmem:s3], $0x80, s12, s12, $0xb8;
	[tilespmem:$0xF900] =	vst v63  }
0x9e: {  	_ =	swait.ge [sflag:s15], $0x4000  }
0x9f: {  	[sflag:s15] =	ssyncset.done $0x0  }
0xa0: {  	s8 =	rddreg [dreg:$0x14];
	[sflag:s15] =	ssyncadd.s32 $0xFFFFC000  }
0xa1: {  	[hbm4b:s8+s31] =	stream.linear.scatter [tilespmem:s13], [sflag:$0x7], $0x4000, $0x38;
	[tilespmem:$0xF900] =	vst v63  }
0xa2: {  	_ =	swait.ge [sflag:s19], $0x4000  }
0xa3: {  	[sflag:s19] =	ssyncset.done $0x0  }
0xa4: {  	s9 =	simm.s32 $0xD00;
	[sflag:s19] =	ssyncadd.s32 $0xFFFFC000  }
0xa5: {  	[tilespmem:s18], [sflag:$0x5] =	stream.indirect.gather [spmem:s4], $0x80, s9, s12, $0xb8;
	[tilespmem:$0xF900] =	vst v63  }
0xa6: {  	s20 =	simm.s32 $0x100  }
0xa7: {  	[tilespmem:s21], [sflag:$0x3] =	stream.indirect.gather [spmem:s3], $0x80, s20, s12, $0xb8;
	[tilespmem:$0xF900] =	vst v63  }
0xa8: {  	_ =	swait.ge [sflag:s22], $0x4000  }
0xa9: {  	[sflag:s22] =	ssyncset.done $0x0  }
0xaa: {  	s8 =	rddreg [dreg:$0x15];
	[sflag:s22] =	ssyncadd.s32 $0xFFFFC000  }
0xab: {  	[hbm4b:s8+s31] =	stream.linear.scatter [tilespmem:s18], [sflag:$0x8], $0x4000, $0x38;
	[tilespmem:$0xF900] =	vst v63  }
0xac: {  	_ =	swait.ge [sflag:s17], $0x4000  }
0xad: {  	[sflag:s17] =	ssyncset.done $0x0  }
0xae: {  	[sflag:s17] =	ssyncadd.s32 $0xFFFFC000  }
0xaf: {  	_ =	swait.ge [sflag:s24], $0x4000  }
0xb0: {  	[sflag:s24] =	ssyncset.done $0x0  }
0xb1: {  	s9 =	simm.s32 $0xD80;
	s2 =	rddreg [dreg:$0x18];
	[sflag:s24] =	ssyncadd.s32 $0xFFFFC000  }
0xb2: {  	[tilespmem:s21], [sflag:$0x6] =	stream.indirect.gather [spmem:s4], $0x80, s9, s12, $0xb8;
	[tilespmem:$0xF900] =	vst v63  }
0xb3: {  	s20 =	simm.s32 $0x180;
	s8 =	rddreg [dreg:$0x17]  }
0xb4: {  	[tilespmem:s13], [sflag:$0x1] =	stream.indirect.gather [spmem:s3], $0x80, s20, s12, $0xb8;
	[tilespmem:$0xF900] =	vst v63  }
.LBB2_8:
0xb5: {  	_ =	swait.ge [sflag:s25], $0x4000  }
0xb6: {  	[sflag:s25] =	ssyncset.done $0x0  }
0xb7: {  	[sflag:s25] =	ssyncadd.s32 $0xFFFFC000  }
0xb8: {  	[hbm4b:s8+s5] =	stream.linear.scatter [tilespmem:s21], [sflag:$0x9], $0x4000, $0x38;
	[tilespmem:$0xF900] =	vst v63  }
0xb9: {  	_ =	swait.ge [sflag:s0], $0x4000  }
0xba: {  	[sflag:s0] =	ssyncset.done $0x0  }
0xbb: {  	[sflag:s0] =	ssyncadd.s32 $0xFFFFC000  }
0xbc: {  	_ =	swait.ge [sflag:s14], $0x4000  }
0xbd: {  	s9 =	sshra.s32 s31, $0x2;
	[sflag:s14] =	ssyncset.done $0x0  }
0xbe: {  	s20 =	sadd.s32 $0xE00, s9;
	[sflag:s14] =	ssyncadd.s32 $0xFFFFC000  }
0xbf: {  	[tilespmem:s13], [sflag:$0x4] =	stream.indirect.gather [spmem:s4], $0x80, s20, s12, $0xb8;
	[tilespmem:$0xF900] =	vst v63  }
0xc0: {  	s20 =	sadd.s32 $0x200, s9  }
0xc1: {  	[tilespmem:s18], [sflag:$0x2] =	stream.indirect.gather [spmem:s3], $0x80, s20, s12, $0xb8;
	[tilespmem:$0xF900] =	vst v63  }
0xc2: {  	_ =	swait.ge [sflag:s15], $0x4000  }
0xc3: {  	[sflag:s15] =	ssyncset.done $0x0  }
0xc4: {  	[sflag:s15] =	ssyncadd.s32 $0xFFFFC000  }
0xc5: {  	[hbm4b:s2+s5] =	stream.linear.scatter [tilespmem:s13], [sflag:$0x7], $0x4000, $0x38;
	[tilespmem:$0xF900] =	vst v63  }
0xc6: {  	_ =	swait.ge [sflag:s16], $0x4000  }
0xc7: {  	[sflag:s16] =	ssyncset.done $0x0  }
0xc8: {  	[sflag:s16] =	ssyncadd.s32 $0xFFFFC000  }
0xc9: {  	_ =	swait.ge [sflag:s19], $0x4000  }
0xca: {  	[sflag:s19] =	ssyncset.done $0x0  }
0xcb: {  	s20 =	sadd.s32 $0xE80, s9;
	[sflag:s19] =	ssyncadd.s32 $0xFFFFC000  }
0xcc: {  	[tilespmem:s18], [sflag:$0x5] =	stream.indirect.gather [spmem:s4], $0x80, s20, s12, $0xb8;
	[tilespmem:$0xF900] =	vst v63  }
0xcd: {  	s20 =	sadd.s32 $0x280, s9  }
0xce: {  	[tilespmem:s21], [sflag:$0x3] =	stream.indirect.gather [spmem:s3], $0x80, s20, s12, $0xb8;
	[tilespmem:$0xF900] =	vst v63  }
0xcf: {  	_ =	swait.ge [sflag:s22], $0x4000  }
0xd0: {  	[sflag:s22] =	ssyncset.done $0x0  }
0xd1: {  	s20 =	sadd.s32 $0x800, s2;
	[sflag:s22] =	ssyncadd.s32 $0xFFFFC000  }
0xd2: {  	[hbm4b:s20+s5] =	stream.linear.scatter [tilespmem:s18], [sflag:$0x8], $0x4000, $0x38;
	[tilespmem:$0xF900] =	vst v63  }
0xd3: {  	_ =	swait.ge [sflag:s17], $0x4000  }
0xd4: {  	p0 =	seq.s32 s31, $0x2400;
	[sflag:s17] =	ssyncset.done $0x0  }
.Ltmp6:
0xd5: {  	[sflag:s17] =	ssyncadd.s32 $0xFFFFC000;
	(pc) =	sbr.rel @p0 .LBB2_10-.Ltmp6, $4  }
0xd6: {  	_ =	swait.ge [sflag:s24], $0x4000  }
0xd7: {  	[sflag:s24] =	ssyncset.done $0x0  }
0xd8: {  	s20 =	sadd.s32 $0xF00, s9;
	[sflag:s24] =	ssyncadd.s32 $0xFFFFC000  }
0xd9: {  	[tilespmem:s21], [sflag:$0x6] =	stream.indirect.gather [spmem:s4], $0x80, s20, s12, $0xb8;
	[tilespmem:$0xF900] =	vst v63  }
.Ltmp7:
0xda: {  	(pc) =	sbr.rel .LBB2_8-.Ltmp7, $4  }
0xdb: {  	_ = 	snop  }
0xdc: {  	s9 =	sadd.s32 $0x300, s9  }
0xdd: {  	s31 =	sadd.s32 $0x600, s31;
	s8 =	sadd.s32 $0x1800, s8;
	s2 =	sadd.s32 $0x1800, s2  }
0xde: {  	[tilespmem:s13], [sflag:$0x1] =	stream.indirect.gather [spmem:s3], $0x80, s9, s12, $0xb8;
	[tilespmem:$0xF900] =	vst v63  }
.LBB2_10:
0xdf: {  	_ =	swait.ge [sflag:s25], $0x4000  }
0xe0: {  	s2 =	simm.s32 @!p2 $0x0;
	[sflag:s25] =	ssyncset.done $0x0  }
0xe1: {  	s8 =	simm.s32 @!p2 $0x9900;
	s9 =	rddreg [dreg:$0x11];
	[sflag:s25] =	ssyncadd.s32 $0xFFFFC000  }
0xe2: {  	[hbm4b:s9+s2] =	stream.linear.scatter @!p2 [tilespmem:s8], [sflag:$0x9], $0x4000, $0x38;
	[tilespmem:$0xF900] =	vst v63  }
0xe3: {  	s2 =	simm.s32 @!p1 $0x0;
	s8 =	simm.s32 @!p1 $0x9900  }
0xe4: {  	[hbm4b:s6+s2] =	stream.linear.scatter @!p1 [tilespmem:s8], [sflag:$0x9], $0x1000, $0x38;
	[tilespmem:$0xF900] =	vst v63  }
0xe5: {  	_ =	swait.ge [sflag:s0], $0x4000  }
0xe6: {  	[sflag:s0] =	ssyncset.done $0x0  }
0xe7: {  	s2 =	simm.s32 @!p2 $0x9;
	[sflag:s0] =	ssyncadd.s32 $0xFFFFC000  }
0xe8: {  	_ =	swait.ge @!p2 [sflag:s2], $0x4000  }
0xe9: {  	[sflag:s2] =	ssyncset.done @!p2 $0x0  }
0xea: {  	[sflag:s2] =	ssyncadd.s32 @!p2 $0xFFFFC000;
	s2 =	simm.s32 @!p1 $0x9  }
0xeb: {  	_ =	swait.ge @!p1 [sflag:s2], $0x1000  }
0xec: {  	[sflag:s2] =	ssyncset.done @!p1 $0x0  }
0xed: {  	[sflag:s2] =	ssyncadd.s32 @!p1 $0xFFFFF000  }
.LBB2_11:
.Ltmp8:
0xee: {  	(pc) =	sbr.rel @p3 .LBB2_16-.Ltmp8, $1  }
0xef: {  	_ =	sdelay $0x3  }
0xf0: {  	s31 =	simm.s32 $0x0;
	s2 =	rddreg [dreg:$0x12]  }
0xf1: {  	[tilespmem:s31], [sflag:$0xB] =	stream.linear.gather [hbm4b:s2+s31], $0xB80, $0x38;
	[tilespmem:$0xF900] =	vst v63  }
0xf2: {  	_ =	swait.ge [sflag:s7], $0xB80  }
0xf3: {  	[sflag:s7] =	ssyncset.done $0x0  }
0xf4: {  	s8 =	simm.s32 $0xC80;
	s9 =	rddreg [dreg:$0x13];
	[sflag:s7] =	ssyncadd.s32 $0xFFFFF480  }
0xf5: {  	[tilespmem:s8], [sflag:$0xB] =	stream.linear.gather [hbm4b:s9+s31], $0xB80, $0x38;
	[tilespmem:$0xF900] =	vst v63  }
0xf6: {  	_ =	swait.ge [sflag:s7], $0xB80  }
0xf7: {  	[sflag:s7] =	ssyncset.done $0x0  }
0xf8: {  	s9 =	simm.s32 $0xB80;
	s20 =	rddreg [dreg:$0x9];
	[sflag:s7] =	ssyncadd.s32 $0xFFFFF480  }
0xf9: {  	[tilespmem:s9], [sflag:$0xB] =	stream.linear.gather [hbm4b:s20+s31], $0x80, $0x38;
	[tilespmem:$0xF900] =	vst v63  }
0xfa: {  	_ =	swait.ge [sflag:s7], $0x80  }
0xfb: {  	[sflag:s7] =	ssyncset.done $0x0  }
0xfc: {  	s20 =	simm.s32 $0x1800;
	s9 =	rddreg [dreg:$0xa];
	[sflag:s7] =	ssyncadd.s32 $0xFFFFFF80  }
0xfd: {  	[tilespmem:s20], [sflag:$0xB] =	stream.linear.gather [hbm4b:s9+s31], $0x80, $0x38;
	[tilespmem:$0xF900] =	vst v63  }
0xfe: {  	_ =	swait.ge [sflag:s7], $0x80  }
0xff: {  	[sflag:s7] =	ssyncset.done $0x0  }
0x100: {  	[sflag:s7] =	ssyncadd.s32 $0xFFFFFF80  }
0x101: {  	[tilespmem:s13], [sflag:$0x1] =	stream.indirect.gather [spmem:s3], $0x80, s31, s12, $0xb8;
	[tilespmem:$0xF900] =	vst v63  }
0x102: {  	_ =	swait.ge [sflag:s14], $0x4000  }
0x103: {  	[sflag:s14] =	ssyncset.done $0x0  }
0x104: {  	[sflag:s14] =	ssyncadd.s32 $0xFFFFC000  }
0x105: {  	[tilespmem:s13], [sflag:$0x4] =	stream.indirect.gather [spmem:s4], $0x80, s8, s12, $0xb8;
	[tilespmem:$0xF900] =	vst v63  }
0x106: {  	_ = 	snop  }
0x107: {  	[tilespmem:s18], [sflag:$0x2] =	stream.indirect.gather [spmem:s3], $0x80, s12, s12, $0xb8;
	[tilespmem:$0xF900] =	vst v63  }
0x108: {  	_ =	swait.ge [sflag:s15], $0x4000  }
0x109: {  	[sflag:s15] =	ssyncset.done $0x0  }
0x10a: {  	s8 =	rddreg [dreg:$0x1b];
	[sflag:s15] =	ssyncadd.s32 $0xFFFFC000  }
0x10b: {  	[hbm4b:s8+s31] =	stream.linear.scatter [tilespmem:s13], [sflag:$0x7], $0x4000, $0x38;
	[tilespmem:$0xF900] =	vst v63  }
0x10c: {  	_ =	swait.ge [sflag:s19], $0x4000  }
0x10d: {  	[sflag:s19] =	ssyncset.done $0x0  }
0x10e: {  	s9 =	simm.s32 $0xD00;
	[sflag:s19] =	ssyncadd.s32 $0xFFFFC000  }
0x10f: {  	[tilespmem:s18], [sflag:$0x5] =	stream.indirect.gather [spmem:s4], $0x80, s9, s12, $0xb8;
	[tilespmem:$0xF900] =	vst v63  }
0x110: {  	s20 =	simm.s32 $0x100  }
0x111: {  	[tilespmem:s21], [sflag:$0x3] =	stream.indirect.gather [spmem:s3], $0x80, s20, s12, $0xb8;
	[tilespmem:$0xF900] =	vst v63  }
0x112: {  	_ =	swait.ge [sflag:s22], $0x4000  }
0x113: {  	[sflag:s22] =	ssyncset.done $0x0  }
0x114: {  	s8 =	rddreg [dreg:$0x1c];
	[sflag:s22] =	ssyncadd.s32 $0xFFFFC000  }
0x115: {  	[hbm4b:s8+s31] =	stream.linear.scatter [tilespmem:s18], [sflag:$0x8], $0x4000, $0x38;
	[tilespmem:$0xF900] =	vst v63  }
0x116: {  	_ =	swait.ge [sflag:s17], $0x4000  }
0x117: {  	[sflag:s17] =	ssyncset.done $0x0  }
0x118: {  	[sflag:s17] =	ssyncadd.s32 $0xFFFFC000  }
0x119: {  	_ =	swait.ge [sflag:s24], $0x4000  }
0x11a: {  	[sflag:s24] =	ssyncset.done $0x0  }
0x11b: {  	s9 =	simm.s32 $0xD80;
	[sflag:s24] =	ssyncadd.s32 $0xFFFFC000  }
0x11c: {  	[tilespmem:s21], [sflag:$0x6] =	stream.indirect.gather [spmem:s4], $0x80, s9, s12, $0xb8;
	[tilespmem:$0xF900] =	vst v63  }
0x11d: {  	s20 =	simm.s32 $0x180;
	s2 =	rddreg [dreg:$0x1d]  }
0x11e: {  	[tilespmem:s13], [sflag:$0x1] =	stream.indirect.gather [spmem:s3], $0x80, s20, s12, $0xb8;
	[tilespmem:$0xF900] =	vst v63  }
.LBB2_13:
0x11f: {  	_ =	swait.ge [sflag:s25], $0x4000  }
0x120: {  	[sflag:s25] =	ssyncset.done $0x0  }
0x121: {  	s8 =	sadd.s32 $0xFFFFF000, s2;
	[sflag:s25] =	ssyncadd.s32 $0xFFFFC000  }
0x122: {  	[hbm4b:s8+s5] =	stream.linear.scatter [tilespmem:s21], [sflag:$0x9], $0x4000, $0x38;
	[tilespmem:$0xF900] =	vst v63  }
0x123: {  	_ =	swait.ge [sflag:s0], $0x4000  }
0x124: {  	[sflag:s0] =	ssyncset.done $0x0  }
0x125: {  	[sflag:s0] =	ssyncadd.s32 $0xFFFFC000  }
0x126: {  	_ =	swait.ge [sflag:s14], $0x4000  }
0x127: {  	s8 =	sshra.s32 s31, $0x2;
	[sflag:s14] =	ssyncset.done $0x0  }
0x128: {  	s9 =	sadd.s32 $0xE00, s8;
	[sflag:s14] =	ssyncadd.s32 $0xFFFFC000  }
0x129: {  	[tilespmem:s13], [sflag:$0x4] =	stream.indirect.gather [spmem:s4], $0x80, s9, s12, $0xb8;
	[tilespmem:$0xF900] =	vst v63  }
0x12a: {  	s20 =	sadd.s32 $0x200, s8  }
0x12b: {  	[tilespmem:s18], [sflag:$0x2] =	stream.indirect.gather [spmem:s3], $0x80, s20, s12, $0xb8;
	[tilespmem:$0xF900] =	vst v63  }
0x12c: {  	_ =	swait.ge [sflag:s15], $0x4000  }
0x12d: {  	[sflag:s15] =	ssyncset.done $0x0  }
0x12e: {  	s20 =	sadd.s32 $0xFFFFF800, s2;
	[sflag:s15] =	ssyncadd.s32 $0xFFFFC000  }
0x12f: {  	[hbm4b:s20+s5] =	stream.linear.scatter [tilespmem:s13], [sflag:$0x7], $0x4000, $0x38;
	[tilespmem:$0xF900] =	vst v63  }
0x130: {  	_ =	swait.ge [sflag:s16], $0x4000  }
0x131: {  	[sflag:s16] =	ssyncset.done $0x0  }
0x132: {  	[sflag:s16] =	ssyncadd.s32 $0xFFFFC000  }
0x133: {  	_ =	swait.ge [sflag:s19], $0x4000  }
0x134: {  	[sflag:s19] =	ssyncset.done $0x0  }
0x135: {  	s20 =	sadd.s32 $0xE80, s8;
	[sflag:s19] =	ssyncadd.s32 $0xFFFFC000  }
0x136: {  	[tilespmem:s18], [sflag:$0x5] =	stream.indirect.gather [spmem:s4], $0x80, s20, s12, $0xb8;
	[tilespmem:$0xF900] =	vst v63  }
0x137: {  	s20 =	sadd.s32 $0x280, s8  }
0x138: {  	[tilespmem:s21], [sflag:$0x3] =	stream.indirect.gather [spmem:s3], $0x80, s20, s12, $0xb8;
	[tilespmem:$0xF900] =	vst v63  }
0x139: {  	_ =	swait.ge [sflag:s22], $0x4000  }
0x13a: {  	[sflag:s22] =	ssyncset.done $0x0  }
0x13b: {  	[sflag:s22] =	ssyncadd.s32 $0xFFFFC000  }
0x13c: {  	[hbm4b:s2+s5] =	stream.linear.scatter [tilespmem:s18], [sflag:$0x8], $0x4000, $0x38;
	[tilespmem:$0xF900] =	vst v63  }
0x13d: {  	_ =	swait.ge [sflag:s17], $0x4000  }
0x13e: {  	p0 =	seq.s32 s31, $0x2400;
	[sflag:s17] =	ssyncset.done $0x0  }
.Ltmp9:
0x13f: {  	[sflag:s17] =	ssyncadd.s32 $0xFFFFC000;
	(pc) =	sbr.rel @p0 .LBB2_15-.Ltmp9, $4  }
0x140: {  	_ =	swait.ge [sflag:s24], $0x4000  }
0x141: {  	[sflag:s24] =	ssyncset.done $0x0  }
0x142: {  	s20 =	sadd.s32 $0xF00, s8;
	[sflag:s24] =	ssyncadd.s32 $0xFFFFC000  }
0x143: {  	[tilespmem:s21], [sflag:$0x6] =	stream.indirect.gather [spmem:s4], $0x80, s20, s12, $0xb8;
	[tilespmem:$0xF900] =	vst v63  }
.Ltmp10:
0x144: {  	(pc) =	sbr.rel .LBB2_13-.Ltmp10, $3  }
0x145: {  	_ =	sdelay $0x1  }
0x146: {  	s8 =	sadd.s32 $0x300, s8;
	s31 =	sadd.s32 $0x600, s31;
	s2 =	sadd.s32 $0x1800, s2  }
0x147: {  	[tilespmem:s13], [sflag:$0x1] =	stream.indirect.gather [spmem:s3], $0x80, s8, s12, $0xb8;
	[tilespmem:$0xF900] =	vst v63  }
.LBB2_17:
0x148: {  	_ =	sfence.sel $0x180000  }
0x149: {  	[bflag:$0x0] =	sbarrier.arrive $0xFFFF  }
0x14a: {  	_ =	strace $0x90000047  }
0x14b: {  	s0 =	stileid.u32;
	[bflag:$0x2] =	sbarrier.arrive $0xFFFF  }
0x14c: {  	p0 =	sne.s32 s0, $0x0;
	s0 =	rddreg [dreg:$0x8]  }
0x14d: {  	s0 =	sadd.s32 @!p0 $0x100000, s0  }
0x14e: {  	[sflag:s0] =	ssyncadd.tile.s32 @!p0 $0x1;
	_ =	shalt  }
.Lfunc_end2:
_tile_overlayer_lowered:
.L_overlay_start_2:
0x14f: {  	(tag) =	ssettag $0x2  }
0x150: {  	s0 =	rddreg [dreg:$0x0];
	s2 =	stileid.u32  }
0x151: {  	s1 =	rddreg [dreg:$0x1];
	p0 =	sne.s32 s2, $0x0  }
0x152: {  	s3 =	rddreg [dreg:$0x2];
	[bflag:$0x3] =	sbarrier.arrive $0xFFFF;
	s2 =	simm.s32 @!p0 $0x1C0B  }
0x153: {  	[timem:s3], [sflag:s2] =	dma.local @!p0 [hbm:s0], s1  }
0x154: {  	s0 =	simm.s32 @!p0 $0xB  }
0x155: {  	_ =	swait.ge @!p0 [sflag:s0], s1  }
0x156: {  	s1 =	ssub.s32 @!p0 $0x0, s1;
	[sflag:s0] =	ssyncset.done @!p0 $0x0  }
0x157: {  	[sflag:s0] =	ssyncadd.s32 @!p0 s1  }
0x158: {  	[bflag:$0x3] =	sbarrier.arrive $0xFFFF  }
0x159: {  	_ =	shalt  }

</sc_bundles>
